<compile_context>
chip_gen: v7x
topology: tpu7x:2x2x1
jax: 0.10.2.dev20260603
libtpu: 0.0.44.dev20260713+nightly
codegen_flags: <defaults>
</compile_context>

<pallas_src>
import jax
import jax.numpy as jnp
from jax import lax
from jax.experimental import pallas as pl
from jax.experimental.pallas import tpu as pltpu
from jax.experimental.pallas import tpu_sc as plsc

_MESH_DIAMETER = (0.9, 1.1, 1.0, 0.95, 1.05, 1.2, 0.85, 1.0)
_N = 2048
_B = 16
_L = 16
_HALF = _N // 2
_CH = _N // _L
_TCH = _HALF // _L
_TG = 8


def _vsqrt(x):
  i = lax.bitcast_convert_type(x, jnp.int32)
  y = lax.bitcast_convert_type(jnp.int32(0x5F3759DF) - (i >> 1), jnp.float32)
  for _ in range(3):
    y = y * (1.5 - 0.5 * x * y * y)
  return x * y


def _sc_body(px_hbm, py_hbm, pz_hbm, rot_hbm, out_hbm,
             px_v, py_v, pz_v, qx_v, qy_v, qz_v, pn_v,
             tx_v, ty_v, tz_v, tn_v, rot_v, outv_v):
  c = lax.axis_index("c")
  s = lax.axis_index("s")
  i = s
  h = c

  pltpu.sync_copy(px_hbm.at[pl.ds(i * _N, _N)], px_v)
  pltpu.sync_copy(py_hbm.at[pl.ds(i * _N, _N)], py_v)
  pltpu.sync_copy(pz_hbm.at[pl.ds(i * _N, _N)], pz_v)
  pltpu.sync_copy(rot_hbm.at[pl.ds(i * 128, 32)], rot_v)

  r0 = rot_v[pl.ds(0, _L)]
  r1 = rot_v[pl.ds(_L, _L)]
  A = [jnp.full((_L,), r0[k]) for k in range(9)]
  G = [jnp.full((_L,), r1[k]) for k in range(9)]

  def p1(cidx, carry):
    b = cidx * _L
    vx = px_v[pl.ds(b, _L)]
    vy = py_v[pl.ds(b, _L)]
    vz = pz_v[pl.ds(b, _L)]
    ax = A[0] * vx + A[1] * vy + A[2] * vz
    ay = A[3] * vx + A[4] * vy + A[5] * vz
    az = A[6] * vx + A[7] * vy + A[8] * vz
    qx_v[pl.ds(b, _L)] = ax * -2.0
    qy_v[pl.ds(b, _L)] = ay * -2.0
    qz_v[pl.ds(b, _L)] = az * -2.0
    pn_v[pl.ds(b, _L)] = ax * ax + ay * ay + az * az
    return carry

  lax.fori_loop(0, _CH, p1, 0)

  def p2(cidx, acc):
    b = cidx * _L
    o = h * _HALF + b
    vx = px_v[pl.ds(o, _L)]
    vy = py_v[pl.ds(o, _L)]
    vz = pz_v[pl.ds(o, _L)]
    ax = A[0] * vx + A[1] * vy + A[2] * vz
    ay = A[3] * vx + A[4] * vy + A[5] * vz
    az = A[6] * vx + A[7] * vy + A[8] * vz
    tx = G[0] * vx + G[1] * vy + G[2] * vz
    ty = G[3] * vx + G[4] * vy + G[5] * vz
    tz = G[6] * vx + G[7] * vy + G[8] * vz
    tx_v[pl.ds(b, _L)] = tx
    ty_v[pl.ds(b, _L)] = ty
    tz_v[pl.ds(b, _L)] = tz
    tn_v[pl.ds(b, _L)] = tx * tx + ty * ty + tz * tz
    dx = ax - tx
    dy = ay - ty
    dz = az - tz
    return acc + _vsqrt(dx * dx + dy * dy + dz * dz)

  asym_acc = lax.fori_loop(0, _TCH, p2, jnp.zeros((_L,), jnp.float32))
  asym_sum = jnp.sum(asym_acc)

  inf_v = jnp.full((_L,), jnp.inf, jnp.float32)

  def group(g, sym_acc):
    tb = g * _L
    tvx = tx_v[pl.ds(tb, _L)]
    tvy = ty_v[pl.ds(tb, _L)]
    tvz = tz_v[pl.ds(tb, _L)]
    tvn = tn_v[pl.ds(tb, _L)]
    for sub in range(_L // _TG):
      ks = range(sub * _TG, (sub + 1) * _TG)
      txb = [jnp.full((_L,), tvx[k]) for k in ks]
      tyb = [jnp.full((_L,), tvy[k]) for k in ks]
      tzb = [jnp.full((_L,), tvz[k]) for k in ks]

      def chunk(cidx, ms):
        b = cidx * _L
        qx = qx_v[pl.ds(b, _L)]
        qy = qy_v[pl.ds(b, _L)]
        qz = qz_v[pl.ds(b, _L)]
        pn = pn_v[pl.ds(b, _L)]
        return tuple(
            jnp.minimum(ms[j], pn + txb[j] * qx + tyb[j] * qy + tzb[j] * qz)
            for j in range(_TG))

      ms = lax.fori_loop(0, _CH, chunk, (inf_v,) * _TG)
      for j, k in enumerate(ks):
        md2 = jnp.maximum(jnp.min(ms[j]) + tvn[k], 0.0)
        sym_acc = sym_acc + _vsqrt(md2)
    return sym_acc

  sym_sum = lax.fori_loop(0, _HALF // _L, group, jnp.float32(0.0))

  lanes = lax.broadcasted_iota(jnp.int32, (_L,), 0)
  outv_v[...] = jnp.where(lanes == 0, jnp.full((_L,), sym_sum),
                          jnp.where(lanes == 1, jnp.full((_L,), asym_sum),
                                    jnp.zeros((_L,), jnp.float32)))
  pltpu.sync_copy(outv_v, out_hbm.at[pl.ds((h * _B + i) * 128, _L)])


def _sc_partials(px, py, pz, rot):
  mesh = plsc.VectorSubcoreMesh(core_axis_name="c", subcore_axis_name="s")
  f = pl.kernel(
      _sc_body,
      out_type=jax.ShapeDtypeStruct((2 * _B * 128,), jnp.float32),
      mesh=mesh,
      compiler_params=pltpu.CompilerParams(needs_layout_passes=False),
      scratch_types=[
          pltpu.VMEM((_N,), jnp.float32),
          pltpu.VMEM((_N,), jnp.float32),
          pltpu.VMEM((_N,), jnp.float32),
          pltpu.VMEM((_N,), jnp.float32),
          pltpu.VMEM((_N,), jnp.float32),
          pltpu.VMEM((_N,), jnp.float32),
          pltpu.VMEM((_N,), jnp.float32),
          pltpu.VMEM((_HALF,), jnp.float32),
          pltpu.VMEM((_HALF,), jnp.float32),
          pltpu.VMEM((_HALF,), jnp.float32),
          pltpu.VMEM((_HALF,), jnp.float32),
          pltpu.VMEM((32,), jnp.float32),
          pltpu.VMEM((_L,), jnp.float32),
      ],
  )
  return f(px, py, pz, rot)


def _finalize_body(part_ref, lab_ref, out_ref):
  y = part_ref[0] + part_ref[1]
  sym = y[:, 0:1] * (1.0 / _N)
  asym = y[:, 1:2] * (1.0 / _N)
  lab = lab_ref[...]
  li = jnp.where(lab < 4, sym, asym)
  diam = jnp.zeros_like(sym)
  for k, d in enumerate(_MESH_DIAMETER):
    diam = jnp.where(lab == k, jnp.float32(d), diam)
  out_ref[...] = (jnp.sum(li / diam) * (1.0 / _B)).reshape(1, 1)


def _finalize(partials, labels):
  return pl.pallas_call(
      _finalize_body,
      out_shape=jax.ShapeDtypeStruct((1, 1), jnp.float32),
  )(partials, labels.reshape(_B, 1).astype(jnp.int32))


@jax.jit
def kernel(pred_r, gt_r, labels, points_list):
  px = points_list[:, :, 0].reshape(-1)
  py = points_list[:, :, 1].reshape(-1)
  pz = points_list[:, :, 2].reshape(-1)
  rot = jnp.zeros((_B, 128), jnp.float32)
  rot = rot.at[:, 0:9].set(pred_r.reshape(_B, 9))
  rot = rot.at[:, 16:25].set(gt_r.reshape(_B, 9))
  partials = _sc_partials(px, py, pz, rot.reshape(-1))
  return _finalize(partials.reshape(2, _B, 128), labels)[0, 0]

# --- scband reference (transcript-rebuilt; emitter-appended) ---
"""Pipeline reference for scband-rot-point-matching-loss-66614942760997 (READ-ONLY COPY).

The authoritative reference and input builder live on the scoring server;
editing this copy changes nothing except your own understanding.
"""

import jax, jax.numpy as jnp
import numpy as np

SYMMETRY_TYPES = ["cls_1", "cls_2", "cls_3", "cls_4"]
MESH_DIAMETER = [0.9, 1.1, 1.0, 0.95, 1.05, 1.2, 0.85, 1.0]
LOSS_WEIGHT = 1.0
LOSS_ORD = 2


def setup_inputs(seed: int = 0) -> dict:
    key = jax.random.key(seed)
    k1, k2, k3, k4 = jax.random.split(key, 4)
    pred_r = jax.random.normal(k1, (16, 3, 3), dtype=jnp.float32)
    gt_r = jax.random.normal(k2, (16, 3, 3), dtype=jnp.float32)
    labels = jax.random.randint(k3, (16,), 0, 8, dtype=jnp.int64 if jax.config.jax_enable_x64 else jnp.int32)
    points_list = jax.random.normal(k4, (16, 2048, 3), dtype=jnp.float32)
    return {"pred_r": pred_r, "gt_r": gt_r, "labels": labels, "points_list": points_list}


def reference(pred_r, gt_r, labels, points_list):
    batch_size = pred_r.shape[0]
    mesh_diameter = jnp.asarray(MESH_DIAMETER, dtype=jnp.float32)
    num_sym = len(SYMMETRY_TYPES)
    loss = 0.0
    for i in range(batch_size):
        points = points_list[i]                      # [N, 3]
        pred = (pred_r[i] @ points.T).T              # [N, 3]
        target = (gt_r[i] @ points.T).T              # [N, 3]
        lab = labels[i]
        # knn_points(target, pred, K=1): for each target point, nearest pred point
        d2 = (jnp.sum(target ** 2, axis=1, keepdims=True)
              - 2.0 * (target @ pred.T)
              + jnp.sum(pred ** 2, axis=1)[None, :])   # [N, N]
        idx = jnp.argmin(d2, axis=1)                   # [N]
        loss_sym = jnp.mean(jnp.linalg.norm(pred[idx] - target, ord=LOSS_ORD, axis=-1))
        loss_asym = jnp.mean(jnp.linalg.norm(pred - target, ord=LOSS_ORD, axis=-1))
        loss_i = jnp.where(lab < num_sym, loss_sym, loss_asym)
        loss_i = loss_i / mesh_diameter[lab]
        loss = loss + loss_i
    loss = loss / batch_size
    return LOSS_WEIGHT * loss

if __name__ == "__main__":
    import jax
    _d = setup_inputs()
    print(jax.jit(kernel)(*tuple(_d.values())))

</pallas_src>

<mosaic_0001>
#map = affine_map<(d0, d1) -> (0)>
module attributes {stable_mosaic.version = 14 : i64} {
  func.func @_sc_body(%arg0: i32, %arg1: i32, %arg2: memref<32768xf32, #tpu.memory_space<hbm>>, %arg3: memref<32768xf32, #tpu.memory_space<hbm>>, %arg4: memref<32768xf32, #tpu.memory_space<hbm>>, %arg5: memref<2048xf32, #tpu.memory_space<hbm>>, %arg6: memref<4096xf32, #tpu.memory_space<hbm>>, %arg7: memref<2048xf32, #tpu.memory_space<vmem>>, %arg8: memref<2048xf32, #tpu.memory_space<vmem>>, %arg9: memref<2048xf32, #tpu.memory_space<vmem>>, %arg10: memref<2048xf32, #tpu.memory_space<vmem>>, %arg11: memref<2048xf32, #tpu.memory_space<vmem>>, %arg12: memref<2048xf32, #tpu.memory_space<vmem>>, %arg13: memref<2048xf32, #tpu.memory_space<vmem>>, %arg14: memref<1024xf32, #tpu.memory_space<vmem>>, %arg15: memref<1024xf32, #tpu.memory_space<vmem>>, %arg16: memref<1024xf32, #tpu.memory_space<vmem>>, %arg17: memref<1024xf32, #tpu.memory_space<vmem>>, %arg18: memref<32xf32, #tpu.memory_space<vmem>>, %arg19: memref<16xf32, #tpu.memory_space<vmem>>) attributes {dimension_semantics = [#tpu.dimension_semantics<core_parallel>, #tpu.dimension_semantics<subcore_parallel>], iteration_bounds = array<i64: 2, 16>, scalar_prefetch = 0 : i64, scratch_operands = 13 : i64, tpu.core_type = #tpu.core_type<sc_vector_subcore>, window_params = [{transform_indices = #map}, {transform_indices = #map}, {transform_indices = #map}, {transform_indices = #map}, {transform_indices = #map}]} {
    %mul3A = arith.constant 2048 : i32
    %mul3A_0 = arith.muli %arg1, %mul3A : i32
    "tpu.region"() ({
      %run_scoped3A = tpu.sem_alloc : memref<!tpu.dma_semaphore, #tpu.memory_space<semaphore_mem>>
      %dma_start3A = tpu.memref_slice %arg2[%mul3A_0] : memref<32768xf32, #tpu.memory_space<hbm>> -> memref<2048xf32, #tpu.memory_space<hbm>>
      %dma_start3A_101 = tpu.memref_slice %arg2[%mul3A_0] : memref<32768xf32, #tpu.memory_space<hbm>> -> memref<2048xf32, #tpu.memory_space<hbm>>
      tpu.enqueue_dma source(%dma_start3A_101 : memref<2048xf32, #tpu.memory_space<hbm>>) target(%arg7 : memref<2048xf32, #tpu.memory_space<vmem>>) target_semaphore(%run_scoped3A : memref<!tpu.dma_semaphore, #tpu.memory_space<semaphore_mem>>)
      %dma_wait3A = tpu.memref_slice %arg2[%mul3A_0] : memref<32768xf32, #tpu.memory_space<hbm>> -> memref<2048xf32, #tpu.memory_space<hbm>>
      %dma_wait3A_102 = tpu.memref_slice %arg2[%mul3A_0] : memref<32768xf32, #tpu.memory_space<hbm>> -> memref<2048xf32, #tpu.memory_space<hbm>>
      tpu.wait_dma2 semaphore(%run_scoped3A : memref<!tpu.dma_semaphore, #tpu.memory_space<semaphore_mem>>) src(%dma_wait3A_102 : memref<2048xf32, #tpu.memory_space<hbm>>) dst(%arg7 : memref<2048xf32, #tpu.memory_space<vmem>>)
      tpu.yield
    }) : () -> ()
    %mul3A_1 = arith.constant 2048 : i32
    %mul3A_2 = arith.muli %arg1, %mul3A_1 : i32
    "tpu.region"() ({
      %run_scoped3A = tpu.sem_alloc : memref<!tpu.dma_semaphore, #tpu.memory_space<semaphore_mem>>
      %dma_start3A = tpu.memref_slice %arg3[%mul3A_2] : memref<32768xf32, #tpu.memory_space<hbm>> -> memref<2048xf32, #tpu.memory_space<hbm>>
      %dma_start3A_101 = tpu.memref_slice %arg3[%mul3A_2] : memref<32768xf32, #tpu.memory_space<hbm>> -> memref<2048xf32, #tpu.memory_space<hbm>>
      tpu.enqueue_dma source(%dma_start3A_101 : memref<2048xf32, #tpu.memory_space<hbm>>) target(%arg8 : memref<2048xf32, #tpu.memory_space<vmem>>) target_semaphore(%run_scoped3A : memref<!tpu.dma_semaphore, #tpu.memory_space<semaphore_mem>>)
      %dma_wait3A = tpu.memref_slice %arg3[%mul3A_2] : memref<32768xf32, #tpu.memory_space<hbm>> -> memref<2048xf32, #tpu.memory_space<hbm>>
      %dma_wait3A_102 = tpu.memref_slice %arg3[%mul3A_2] : memref<32768xf32, #tpu.memory_space<hbm>> -> memref<2048xf32, #tpu.memory_space<hbm>>
      tpu.wait_dma2 semaphore(%run_scoped3A : memref<!tpu.dma_semaphore, #tpu.memory_space<semaphore_mem>>) src(%dma_wait3A_102 : memref<2048xf32, #tpu.memory_space<hbm>>) dst(%arg8 : memref<2048xf32, #tpu.memory_space<vmem>>)
      tpu.yield
    }) : () -> ()
    %mul3A_3 = arith.constant 2048 : i32
    %mul3A_4 = arith.muli %arg1, %mul3A_3 : i32
    "tpu.region"() ({
      %run_scoped3A = tpu.sem_alloc : memref<!tpu.dma_semaphore, #tpu.memory_space<semaphore_mem>>
      %dma_start3A = tpu.memref_slice %arg4[%mul3A_4] : memref<32768xf32, #tpu.memory_space<hbm>> -> memref<2048xf32, #tpu.memory_space<hbm>>
      %dma_start3A_101 = tpu.memref_slice %arg4[%mul3A_4] : memref<32768xf32, #tpu.memory_space<hbm>> -> memref<2048xf32, #tpu.memory_space<hbm>>
      tpu.enqueue_dma source(%dma_start3A_101 : memref<2048xf32, #tpu.memory_space<hbm>>) target(%arg9 : memref<2048xf32, #tpu.memory_space<vmem>>) target_semaphore(%run_scoped3A : memref<!tpu.dma_semaphore, #tpu.memory_space<semaphore_mem>>)
      %dma_wait3A = tpu.memref_slice %arg4[%mul3A_4] : memref<32768xf32, #tpu.memory_space<hbm>> -> memref<2048xf32, #tpu.memory_space<hbm>>
      %dma_wait3A_102 = tpu.memref_slice %arg4[%mul3A_4] : memref<32768xf32, #tpu.memory_space<hbm>> -> memref<2048xf32, #tpu.memory_space<hbm>>
      tpu.wait_dma2 semaphore(%run_scoped3A : memref<!tpu.dma_semaphore, #tpu.memory_space<semaphore_mem>>) src(%dma_wait3A_102 : memref<2048xf32, #tpu.memory_space<hbm>>) dst(%arg9 : memref<2048xf32, #tpu.memory_space<vmem>>)
      tpu.yield
    }) : () -> ()
    %mul3A_5 = arith.constant 128 : i32
    %mul3A_6 = arith.muli %arg1, %mul3A_5 : i32
    "tpu.region"() ({
      %run_scoped3A = tpu.sem_alloc : memref<!tpu.dma_semaphore, #tpu.memory_space<semaphore_mem>>
      %dma_start3A = tpu.memref_slice %arg5[%mul3A_6] : memref<2048xf32, #tpu.memory_space<hbm>> -> memref<32xf32, #tpu.memory_space<hbm>>
      %dma_start3A_101 = tpu.memref_slice %arg5[%mul3A_6] : memref<2048xf32, #tpu.memory_space<hbm>> -> memref<32xf32, #tpu.memory_space<hbm>>
      tpu.enqueue_dma source(%dma_start3A_101 : memref<32xf32, #tpu.memory_space<hbm>>) target(%arg18 : memref<32xf32, #tpu.memory_space<vmem>>) target_semaphore(%run_scoped3A : memref<!tpu.dma_semaphore, #tpu.memory_space<semaphore_mem>>)
      %dma_wait3A = tpu.memref_slice %arg5[%mul3A_6] : memref<2048xf32, #tpu.memory_space<hbm>> -> memref<32xf32, #tpu.memory_space<hbm>>
      %dma_wait3A_102 = tpu.memref_slice %arg5[%mul3A_6] : memref<2048xf32, #tpu.memory_space<hbm>> -> memref<32xf32, #tpu.memory_space<hbm>>
      tpu.wait_dma2 semaphore(%run_scoped3A : memref<!tpu.dma_semaphore, #tpu.memory_space<semaphore_mem>>) src(%dma_wait3A_102 : memref<32xf32, #tpu.memory_space<hbm>>) dst(%arg18 : memref<32xf32, #tpu.memory_space<vmem>>)
      tpu.yield
    }) : () -> ()
    %get3A = arith.constant 0 : index
    %get3A_7 = tpu.vector_load %arg18[%get3A] {strides = array<i32>} : memref<32xf32, #tpu.memory_space<vmem>>, vector<16xf32>,
    %get3A_8 = arith.constant 16 : index
    %get3A_9 = tpu.vector_load %arg18[%get3A_8] {strides = array<i32>} : memref<32xf32, #tpu.memory_space<vmem>>, vector<16xf32>,
    %slice3A = vector.extract_strided_slice %get3A_7 {offsets = [0], sizes = [1], strides = [1]} : vector<16xf32> to vector<1xf32>
    %squeeze3A = vector.extract %slice3A[0] : f32 from vector<1xf32>
    %broadcast_in_dim3A = vector.broadcast %squeeze3A : f32 to vector<16xf32>
    %slice3A_10 = vector.extract_strided_slice %get3A_7 {offsets = [1], sizes = [1], strides = [1]} : vector<16xf32> to vector<1xf32>
    %squeeze3A_11 = vector.extract %slice3A_10[0] : f32 from vector<1xf32>
    %broadcast_in_dim3A_12 = vector.broadcast %squeeze3A_11 : f32 to vector<16xf32>
    %slice3A_13 = vector.extract_strided_slice %get3A_7 {offsets = [2], sizes = [1], strides = [1]} : vector<16xf32> to vector<1xf32>
    %squeeze3A_14 = vector.extract %slice3A_13[0] : f32 from vector<1xf32>
    %broadcast_in_dim3A_15 = vector.broadcast %squeeze3A_14 : f32 to vector<16xf32>
    %slice3A_16 = vector.extract_strided_slice %get3A_7 {offsets = [3], sizes = [1], strides = [1]} : vector<16xf32> to vector<1xf32>
    %squeeze3A_17 = vector.extract %slice3A_16[0] : f32 from vector<1xf32>
    %broadcast_in_dim3A_18 = vector.broadcast %squeeze3A_17 : f32 to vector<16xf32>
    %slice3A_19 = vector.extract_strided_slice %get3A_7 {offsets = [4], sizes = [1], strides = [1]} : vector<16xf32> to vector<1xf32>
    %squeeze3A_20 = vector.extract %slice3A_19[0] : f32 from vector<1xf32>
    %broadcast_in_dim3A_21 = vector.broadcast %squeeze3A_20 : f32 to vector<16xf32>
    %slice3A_22 = vector.extract_strided_slice %get3A_7 {offsets = [5], sizes = [1], strides = [1]} : vector<16xf32> to vector<1xf32>
    %squeeze3A_23 = vector.extract %slice3A_22[0] : f32 from vector<1xf32>
    %broadcast_in_dim3A_24 = vector.broadcast %squeeze3A_23 : f32 to vector<16xf32>
    %slice3A_25 = vector.extract_strided_slice %get3A_7 {offsets = [6], sizes = [1], strides = [1]} : vector<16xf32> to vector<1xf32>
    %squeeze3A_26 = vector.extract %slice3A_25[0] : f32 from vector<1xf32>
    %broadcast_in_dim3A_27 = vector.broadcast %squeeze3A_26 : f32 to vector<16xf32>
    %slice3A_28 = vector.extract_strided_slice %get3A_7 {offsets = [7], sizes = [1], strides = [1]} : vector<16xf32> to vector<1xf32>
    %squeeze3A_29 = vector.extract %slice3A_28[0] : f32 from vector<1xf32>
    %broadcast_in_dim3A_30 = vector.broadcast %squeeze3A_29 : f32 to vector<16xf32>
    %slice3A_31 = vector.extract_strided_slice %get3A_7 {offsets = [8], sizes = [1], strides = [1]} : vector<16xf32> to vector<1xf32>
    %squeeze3A_32 = vector.extract %slice3A_31[0] : f32 from vector<1xf32>
    %broadcast_in_dim3A_33 = vector.broadcast %squeeze3A_32 : f32 to vector<16xf32>
    %slice3A_34 = vector.extract_strided_slice %get3A_9 {offsets = [0], sizes = [1], strides = [1]} : vector<16xf32> to vector<1xf32>
    %squeeze3A_35 = vector.extract %slice3A_34[0] : f32 from vector<1xf32>
    %broadcast_in_dim3A_36 = vector.broadcast %squeeze3A_35 : f32 to vector<16xf32>
    %slice3A_37 = vector.extract_strided_slice %get3A_9 {offsets = [1], sizes = [1], strides = [1]} : vector<16xf32> to vector<1xf32>
    %squeeze3A_38 = vector.extract %slice3A_37[0] : f32 from vector<1xf32>
    %broadcast_in_dim3A_39 = vector.broadcast %squeeze3A_38 : f32 to vector<16xf32>
    %slice3A_40 = vector.extract_strided_slice %get3A_9 {offsets = [2], sizes = [1], strides = [1]} : vector<16xf32> to vector<1xf32>
    %squeeze3A_41 = vector.extract %slice3A_40[0] : f32 from vector<1xf32>
    %broadcast_in_dim3A_42 = vector.broadcast %squeeze3A_41 : f32 to vector<16xf32>
    %slice3A_43 = vector.extract_strided_slice %get3A_9 {offsets = [3], sizes = [1], strides = [1]} : vector<16xf32> to vector<1xf32>
    %squeeze3A_44 = vector.extract %slice3A_43[0] : f32 from vector<1xf32>
    %broadcast_in_dim3A_45 = vector.broadcast %squeeze3A_44 : f32 to vector<16xf32>
    %slice3A_46 = vector.extract_strided_slice %get3A_9 {offsets = [4], sizes = [1], strides = [1]} : vector<16xf32> to vector<1xf32>
    %squeeze3A_47 = vector.extract %slice3A_46[0] : f32 from vector<1xf32>
    %broadcast_in_dim3A_48 = vector.broadcast %squeeze3A_47 : f32 to vector<16xf32>
    %slice3A_49 = vector.extract_strided_slice %get3A_9 {offsets = [5], sizes = [1], strides = [1]} : vector<16xf32> to vector<1xf32>
    %squeeze3A_50 = vector.extract %slice3A_49[0] : f32 from vector<1xf32>
    %broadcast_in_dim3A_51 = vector.broadcast %squeeze3A_50 : f32 to vector<16xf32>
    %slice3A_52 = vector.extract_strided_slice %get3A_9 {offsets = [6], sizes = [1], strides = [1]} : vector<16xf32> to vector<1xf32>
    %squeeze3A_53 = vector.extract %slice3A_52[0] : f32 from vector<1xf32>
    %broadcast_in_dim3A_54 = vector.broadcast %squeeze3A_53 : f32 to vector<16xf32>
    %slice3A_55 = vector.extract_strided_slice %get3A_9 {offsets = [7], sizes = [1], strides = [1]} : vector<16xf32> to vector<1xf32>
    %squeeze3A_56 = vector.extract %slice3A_55[0] : f32 from vector<1xf32>
    %broadcast_in_dim3A_57 = vector.broadcast %squeeze3A_56 : f32 to vector<16xf32>
    %slice3A_58 = vector.extract_strided_slice %get3A_9 {offsets = [8], sizes = [1], strides = [1]} : vector<16xf32> to vector<1xf32>
    %squeeze3A_59 = vector.extract %slice3A_58[0] : f32 from vector<1xf32>
    %broadcast_in_dim3A_60 = vector.broadcast %squeeze3A_59 : f32 to vector<16xf32>
    %scan3A = arith.constant 0 : i32
    %scan3A_61 = arith.constant 0 : i32
    %scan3A_62 = arith.constant 128 : i32
    %scan3A_63 = arith.addi %scan3A_61, %scan3A_62 : i32
    %scan3A_64 = arith.constant 1 : i32
    scf.for %scan3A_101 = %scan3A_61 to %scan3A_63 step %scan3A_64  : i32 {
      %mul3A_102 = arith.constant 16 : i32
      %mul3A_103 = arith.muli %scan3A_101, %mul3A_102 : i32
      %get3A_104 = arith.index_cast %mul3A_103 : i32 to index
      %get3A_105 = tpu.vector_load %arg7[%get3A_104] {strides = array<i32>} : memref<2048xf32, #tpu.memory_space<vmem>>, vector<16xf32>,
      %get3A_106 = arith.index_cast %mul3A_103 : i32 to index
      %get3A_107 = tpu.vector_load %arg8[%get3A_106] {strides = array<i32>} : memref<2048xf32, #tpu.memory_space<vmem>>, vector<16xf32>,
      %get3A_108 = arith.index_cast %mul3A_103 : i32 to index
      %get3A_109 = tpu.vector_load %arg9[%get3A_108] {strides = array<i32>} : memref<2048xf32, #tpu.memory_space<vmem>>, vector<16xf32>,
      %mul3A_110 = arith.mulf %broadcast_in_dim3A, %get3A_105 : vector<16xf32>
      %mul3A_111 = arith.mulf %broadcast_in_dim3A_12, %get3A_107 : vector<16xf32>
      %add3A_112 = arith.addf %mul3A_110, %mul3A_111 : vector<16xf32>
      %mul3A_113 = arith.mulf %broadcast_in_dim3A_15, %get3A_109 : vector<16xf32>
      %add3A_114 = arith.addf %add3A_112, %mul3A_113 : vector<16xf32>
      %mul3A_115 = arith.mulf %broadcast_in_dim3A_18, %get3A_105 : vector<16xf32>
      %mul3A_116 = arith.mulf %broadcast_in_dim3A_21, %get3A_107 : vector<16xf32>
      %add3A_117 = arith.addf %mul3A_115, %mul3A_116 : vector<16xf32>
      %mul3A_118 = arith.mulf %broadcast_in_dim3A_24, %get3A_109 : vector<16xf32>
      %add3A_119 = arith.addf %add3A_117, %mul3A_118 : vector<16xf32>
      %mul3A_120 = arith.mulf %broadcast_in_dim3A_27, %get3A_105 : vector<16xf32>
      %mul3A_121 = arith.mulf %broadcast_in_dim3A_30, %get3A_107 : vector<16xf32>
      %add3A_122 = arith.addf %mul3A_120, %mul3A_121 : vector<16xf32>
      %mul3A_123 = arith.mulf %broadcast_in_dim3A_33, %get3A_109 : vector<16xf32>
      %add3A_124 = arith.addf %add3A_122, %mul3A_123 : vector<16xf32>
      %mul3A_125 = arith.constant -2.000000e+00 : f32
      %mul3A_126 = vector.broadcast %mul3A_125 : f32 to vector<16xf32>
      %mul3A_127 = arith.mulf %add3A_114, %mul3A_126 : vector<16xf32>
      %swap3A_128 = arith.index_cast %mul3A_103 : i32 to index
      %swap3A_129 = tpu.vector_load %arg10[%swap3A_128] {strides = array<i32>} : memref<2048xf32, #tpu.memory_space<vmem>>, vector<16xf32>,
      tpu.vector_store %arg10[%swap3A_128], %mul3A_127 {strides = array<i32>} : memref<2048xf32, #tpu.memory_space<vmem>>, vector<16xf32>,
      %mul3A_130 = arith.constant -2.000000e+00 : f32
      %mul3A_131 = vector.broadcast %mul3A_130 : f32 to vector<16xf32>
      %mul3A_132 = arith.mulf %add3A_119, %mul3A_131 : vector<16xf32>
      %swap3A_133 = arith.index_cast %mul3A_103 : i32 to index
      %swap3A_134 = tpu.vector_load %arg11[%swap3A_133] {strides = array<i32>} : memref<2048xf32, #tpu.memory_space<vmem>>, vector<16xf32>,
      tpu.vector_store %arg11[%swap3A_133], %mul3A_132 {strides = array<i32>} : memref<2048xf32, #tpu.memory_space<vmem>>, vector<16xf32>,
      %mul3A_135 = arith.constant -2.000000e+00 : f32
      %mul3A_136 = vector.broadcast %mul3A_135 : f32 to vector<16xf32>
      %mul3A_137 = arith.mulf %add3A_124, %mul3A_136 : vector<16xf32>
      %swap3A_138 = arith.index_cast %mul3A_103 : i32 to index
      %swap3A_139 = tpu.vector_load %arg12[%swap3A_138] {strides = array<i32>} : memref<2048xf32, #tpu.memory_space<vmem>>, vector<16xf32>,
      tpu.vector_store %arg12[%swap3A_138], %mul3A_137 {strides = array<i32>} : memref<2048xf32, #tpu.memory_space<vmem>>, vector<16xf32>,
      %mul3A_140 = arith.mulf %add3A_114, %add3A_114 : vector<16xf32>
      %mul3A_141 = arith.mulf %add3A_119, %add3A_119 : vector<16xf32>
      %add3A_142 = arith.addf %mul3A_140, %mul3A_141 : vector<16xf32>
      %mul3A_143 = arith.mulf %add3A_124, %add3A_124 : vector<16xf32>
      %add3A_144 = arith.addf %add3A_142, %mul3A_143 : vector<16xf32>
      %swap3A_145 = arith.index_cast %mul3A_103 : i32 to index
      %swap3A_146 = tpu.vector_load %arg13[%swap3A_145] {strides = array<i32>} : memref<2048xf32, #tpu.memory_space<vmem>>, vector<16xf32>,
      tpu.vector_store %arg13[%swap3A_145], %add3A_144 {strides = array<i32>} : memref<2048xf32, #tpu.memory_space<vmem>>, vector<16xf32>,
    }
    %scan3A_65 = arith.constant 128 : i32
    %broadcast_in_dim3A_66 = arith.constant 0.000000e+00 : f32
    %broadcast_in_dim3A_67 = vector.broadcast %broadcast_in_dim3A_66 : f32 to vector<16xf32>
    %scan3A_68 = arith.constant 0 : i32
    %scan3A_69 = arith.constant 64 : i32
    %scan3A_70 = arith.addi %scan3A_68, %scan3A_69 : i32
    %scan3A_71 = arith.constant 1 : i32
    %scan3A_72 = scf.for %scan3A_101 = %scan3A_68 to %scan3A_70 step %scan3A_71 iter_args(%scan3A_102 = %broadcast_in_dim3A_67) -> (vector<16xf32>)  : i32 {
      %mul3A_103 = arith.constant 16 : i32
      %mul3A_104 = arith.muli %scan3A_101, %mul3A_103 : i32
      %mul3A_105 = arith.constant 1024 : i32
      %mul3A_106 = arith.muli %arg0, %mul3A_105 : i32
      %add3A_107 = arith.addi %mul3A_106, %mul3A_104 : i32
      %get3A_108 = arith.index_cast %add3A_107 : i32 to index
      %get3A_109 = tpu.vector_load %arg7[%get3A_108] {strides = array<i32>} : memref<2048xf32, #tpu.memory_space<vmem>>, vector<16xf32>,
      %get3A_110 = arith.index_cast %add3A_107 : i32 to index
      %get3A_111 = tpu.vector_load %arg8[%get3A_110] {strides = array<i32>} : memref<2048xf32, #tpu.memory_space<vmem>>, vector<16xf32>,
      %get3A_112 = arith.index_cast %add3A_107 : i32 to index
      %get3A_113 = tpu.vector_load %arg9[%get3A_112] {strides = array<i32>} : memref<2048xf32, #tpu.memory_space<vmem>>, vector<16xf32>,
      %mul3A_114 = arith.mulf %broadcast_in_dim3A, %get3A_109 : vector<16xf32>
      %mul3A_115 = arith.mulf %broadcast_in_dim3A_12, %get3A_111 : vector<16xf32>
      %add3A_116 = arith.addf %mul3A_114, %mul3A_115 : vector<16xf32>
      %mul3A_117 = arith.mulf %broadcast_in_dim3A_15, %get3A_113 : vector<16xf32>
      %add3A_118 = arith.addf %add3A_116, %mul3A_117 : vector<16xf32>
      %mul3A_119 = arith.mulf %broadcast_in_dim3A_18, %get3A_109 : vector<16xf32>
      %mul3A_120 = arith.mulf %broadcast_in_dim3A_21, %get3A_111 : vector<16xf32>
      %add3A_121 = arith.addf %mul3A_119, %mul3A_120 : vector<16xf32>
      %mul3A_122 = arith.mulf %broadcast_in_dim3A_24, %get3A_113 : vector<16xf32>
      %add3A_123 = arith.addf %add3A_121, %mul3A_122 : vector<16xf32>
      %mul3A_124 = arith.mulf %broadcast_in_dim3A_27, %get3A_109 : vector<16xf32>
      %mul3A_125 = arith.mulf %broadcast_in_dim3A_30, %get3A_111 : vector<16xf32>
      %add3A_126 = arith.addf %mul3A_124, %mul3A_125 : vector<16xf32>
      %mul3A_127 = arith.mulf %broadcast_in_dim3A_33, %get3A_113 : vector<16xf32>
      %add3A_128 = arith.addf %add3A_126, %mul3A_127 : vector<16xf32>
      %mul3A_129 = arith.mulf %broadcast_in_dim3A_36, %get3A_109 : vector<16xf32>
      %mul3A_130 = arith.mulf %broadcast_in_dim3A_39, %get3A_111 : vector<16xf32>
      %add3A_131 = arith.addf %mul3A_129, %mul3A_130 : vector<16xf32>
      %mul3A_132 = arith.mulf %broadcast_in_dim3A_42, %get3A_113 : vector<16xf32>
      %add3A_133 = arith.addf %add3A_131, %mul3A_132 : vector<16xf32>
      %mul3A_134 = arith.mulf %broadcast_in_dim3A_45, %get3A_109 : vector<16xf32>
      %mul3A_135 = arith.mulf %broadcast_in_dim3A_48, %get3A_111 : vector<16xf32>
      %add3A_136 = arith.addf %mul3A_134, %mul3A_135 : vector<16xf32>
      %mul3A_137 = arith.mulf %broadcast_in_dim3A_51, %get3A_113 : vector<16xf32>
      %add3A_138 = arith.addf %add3A_136, %mul3A_137 : vector<16xf32>
      %mul3A_139 = arith.mulf %broadcast_in_dim3A_54, %get3A_109 : vector<16xf32>
      %mul3A_140 = arith.mulf %broadcast_in_dim3A_57, %get3A_111 : vector<16xf32>
      %add3A_141 = arith.addf %mul3A_139, %mul3A_140 : vector<16xf32>
      %mul3A_142 = arith.mulf %broadcast_in_dim3A_60, %get3A_113 : vector<16xf32>
      %add3A_143 = arith.addf %add3A_141, %mul3A_142 : vector<16xf32>
      %swap3A_144 = arith.index_cast %mul3A_104 : i32 to index
      %swap3A_145 = tpu.vector_load %arg14[%swap3A_144] {strides = array<i32>} : memref<1024xf32, #tpu.memory_space<vmem>>, vector<16xf32>,
      tpu.vector_store %arg14[%swap3A_144], %add3A_133 {strides = array<i32>} : memref<1024xf32, #tpu.memory_space<vmem>>, vector<16xf32>,
      %swap3A_146 = arith.index_cast %mul3A_104 : i32 to index
      %swap3A_147 = tpu.vector_load %arg15[%swap3A_146] {strides = array<i32>} : memref<1024xf32, #tpu.memory_space<vmem>>, vector<16xf32>,
      tpu.vector_store %arg15[%swap3A_146], %add3A_138 {strides = array<i32>} : memref<1024xf32, #tpu.memory_space<vmem>>, vector<16xf32>,
      %swap3A_148 = arith.index_cast %mul3A_104 : i32 to index
      %swap3A_149 = tpu.vector_load %arg16[%swap3A_148] {strides = array<i32>} : memref<1024xf32, #tpu.memory_space<vmem>>, vector<16xf32>,
      tpu.vector_store %arg16[%swap3A_148], %add3A_143 {strides = array<i32>} : memref<1024xf32, #tpu.memory_space<vmem>>, vector<16xf32>,
      %mul3A_150 = arith.mulf %add3A_133, %add3A_133 : vector<16xf32>
      %mul3A_151 = arith.mulf %add3A_138, %add3A_138 : vector<16xf32>
      %add3A_152 = arith.addf %mul3A_150, %mul3A_151 : vector<16xf32>
      %mul3A_153 = arith.mulf %add3A_143, %add3A_143 : vector<16xf32>
      %add3A_154 = arith.addf %add3A_152, %mul3A_153 : vector<16xf32>
      %swap3A_155 = arith.index_cast %mul3A_104 : i32 to index
      %swap3A_156 = tpu.vector_load %arg17[%swap3A_155] {strides = array<i32>} : memref<1024xf32, #tpu.memory_space<vmem>>, vector<16xf32>,
      tpu.vector_store %arg17[%swap3A_155], %add3A_154 {strides = array<i32>} : memref<1024xf32, #tpu.memory_space<vmem>>, vector<16xf32>,
      %sub3A = arith.subf %add3A_118, %add3A_133 : vector<16xf32>
      %sub3A_157 = arith.subf %add3A_123, %add3A_138 : vector<16xf32>
      %sub3A_158 = arith.subf %add3A_128, %add3A_143 : vector<16xf32>
      %mul3A_159 = arith.mulf %sub3A, %sub3A : vector<16xf32>
      %mul3A_160 = arith.mulf %sub3A_157, %sub3A_157 : vector<16xf32>
      %add3A_161 = arith.addf %mul3A_159, %mul3A_160 : vector<16xf32>
      %mul3A_162 = arith.mulf %sub3A_158, %sub3A_158 : vector<16xf32>
      %add3A_163 = arith.addf %add3A_161, %mul3A_162 : vector<16xf32>
      %bitcast_convert_type3A = tpu.bitcast %add3A_163 : vector<16xf32> -> vector<16xi32>
      %shift_right_arithmetic3A = arith.constant 1 : i32
      %shift_right_arithmetic3A_164 = vector.broadcast %shift_right_arithmetic3A : i32 to vector<16xi32>
      %shift_right_arithmetic3A_165 = arith.shrsi %bitcast_convert_type3A, %shift_right_arithmetic3A_164 : vector<16xi32>
      %sub3A_166 = arith.constant 1597463007 : i32
      %sub3A_167 = vector.broadcast %sub3A_166 : i32 to vector<16xi32>
      %sub3A_168 = arith.subi %sub3A_167, %shift_right_arithmetic3A_165 : vector<16xi32>
      %bitcast_convert_type3A_169 = tpu.bitcast %sub3A_168 : vector<16xi32> -> vector<16xf32>
      %mul3A_170 = arith.constant 5.000000e-01 : f32
      %mul3A_171 = vector.broadcast %mul3A_170 : f32 to vector<16xf32>
      %mul3A_172 = arith.mulf %mul3A_171, %add3A_163 : vector<16xf32>
      %mul3A_173 = arith.mulf %mul3A_172, %bitcast_convert_type3A_169 : vector<16xf32>
      %mul3A_174 = arith.mulf %mul3A_173, %bitcast_convert_type3A_169 : vector<16xf32>
      %sub3A_175 = arith.constant 1.500000e+00 : f32
      %sub3A_176 = vector.broadcast %sub3A_175 : f32 to vector<16xf32>
      %sub3A_177 = arith.subf %sub3A_176, %mul3A_174 : vector<16xf32>
      %mul3A_178 = arith.mulf %bitcast_convert_type3A_169, %sub3A_177 : vector<16xf32>
      %mul3A_179 = arith.constant 5.000000e-01 : f32
      %mul3A_180 = vector.broadcast %mul3A_179 : f32 to vector<16xf32>
      %mul3A_181 = arith.mulf %mul3A_180, %add3A_163 : vector<16xf32>
      %mul3A_182 = arith.mulf %mul3A_181, %mul3A_178 : vector<16xf32>
      %mul3A_183 = arith.mulf %mul3A_182, %mul3A_178 : vector<16xf32>
      %sub3A_184 = arith.constant 1.500000e+00 : f32
      %sub3A_185 = vector.broadcast %sub3A_184 : f32 to vector<16xf32>
      %sub3A_186 = arith.subf %sub3A_185, %mul3A_183 : vector<16xf32>
      %mul3A_187 = arith.mulf %mul3A_178, %sub3A_186 : vector<16xf32>
      %mul3A_188 = arith.constant 5.000000e-01 : f32
      %mul3A_189 = vector.broadcast %mul3A_188 : f32 to vector<16xf32>
      %mul3A_190 = arith.mulf %mul3A_189, %add3A_163 : vector<16xf32>
      %mul3A_191 = arith.mulf %mul3A_190, %mul3A_187 : vector<16xf32>
      %mul3A_192 = arith.mulf %mul3A_191, %mul3A_187 : vector<16xf32>
      %sub3A_193 = arith.constant 1.500000e+00 : f32
      %sub3A_194 = vector.broadcast %sub3A_193 : f32 to vector<16xf32>
      %sub3A_195 = arith.subf %sub3A_194, %mul3A_192 : vector<16xf32>
      %mul3A_196 = arith.mulf %mul3A_187, %sub3A_195 : vector<16xf32>
      %mul3A_197 = arith.mulf %add3A_163, %mul3A_196 : vector<16xf32>
      %add3A_198 = arith.addf %scan3A_102, %mul3A_197 : vector<16xf32>
      scf.yield %add3A_198 : vector<16xf32>
    }
    %scan3A_73 = arith.constant 64 : i32
    %reduce_sum3A = arith.constant true
    %reduce_sum3A_74 = vector.broadcast %reduce_sum3A : i1 to vector<16xi1>
    %reduce_sum3A_75 = tpu.scan <sum>, %scan3A_72 masked %reduce_sum3A_74 : vector<16xf32>, vector<16xi1> -> vector<16xf32>
    %reduce_sum3A_76 = vector.extract %reduce_sum3A_75[15] : f32 from vector<16xf32>
    %broadcast_in_dim3A_77 = arith.constant 0x7F800000 : f32
    %broadcast_in_dim3A_78 = vector.broadcast %broadcast_in_dim3A_77 : f32 to vector<16xf32>
    %scan3A_79 = arith.constant 0.000000e+00 : f32
    %scan3A_80 = arith.constant 0 : i32
    %scan3A_81 = arith.constant 64 : i32
    %scan3A_82 = arith.addi %scan3A_80, %scan3A_81 : i32
    %scan3A_83 = arith.constant 1 : i32
    %scan3A_84 = scf.for %scan3A_101 = %scan3A_80 to %scan3A_82 step %scan3A_83 iter_args(%scan3A_102 = %scan3A_79) -> (f32)  : i32 {
      %mul3A_103 = arith.constant 16 : i32
      %mul3A_104 = arith.muli %scan3A_101, %mul3A_103 : i32
      %get3A_105 = arith.index_cast %mul3A_104 : i32 to index
      %get3A_106 = tpu.vector_load %arg14[%get3A_105] {strides = array<i32>} : memref<1024xf32, #tpu.memory_space<vmem>>, vector<16xf32>,
      %get3A_107 = arith.index_cast %mul3A_104 : i32 to index
      %get3A_108 = tpu.vector_load %arg15[%get3A_107] {strides = array<i32>} : memref<1024xf32, #tpu.memory_space<vmem>>, vector<16xf32>,
      %get3A_109 = arith.index_cast %mul3A_104 : i32 to index
      %get3A_110 = tpu.vector_load %arg16[%get3A_109] {strides = array<i32>} : memref<1024xf32, #tpu.memory_space<vmem>>, vector<16xf32>,
      %get3A_111 = arith.index_cast %mul3A_104 : i32 to index
      %get3A_112 = tpu.vector_load %arg17[%get3A_111] {strides = array<i32>} : memref<1024xf32, #tpu.memory_space<vmem>>, vector<16xf32>,
      %slice3A_113 = vector.extract_strided_slice %get3A_106 {offsets = [0], sizes = [1], strides = [1]} : vector<16xf32> to vector<1xf32>
      %squeeze3A_114 = vector.extract %slice3A_113[0] : f32 from vector<1xf32>
      %broadcast_in_dim3A_115 = vector.broadcast %squeeze3A_114 : f32 to vector<16xf32>
      %slice3A_116 = vector.extract_strided_slice %get3A_106 {offsets = [1], sizes = [1], strides = [1]} : vector<16xf32> to vector<1xf32>
      %squeeze3A_117 = vector.extract %slice3A_116[0] : f32 from vector<1xf32>
      %broadcast_in_dim3A_118 = vector.broadcast %squeeze3A_117 : f32 to vector<16xf32>
      %slice3A_119 = vector.extract_strided_slice %get3A_106 {offsets = [2], sizes = [1], strides = [1]} : vector<16xf32> to vector<1xf32>
      %squeeze3A_120 = vector.extract %slice3A_119[0] : f32 from vector<1xf32>
      %broadcast_in_dim3A_121 = vector.broadcast %squeeze3A_120 : f32 to vector<16xf32>
      %slice3A_122 = vector.extract_strided_slice %get3A_106 {offsets = [3], sizes = [1], strides = [1]} : vector<16xf32> to vector<1xf32>
      %squeeze3A_123 = vector.extract %slice3A_122[0] : f32 from vector<1xf32>
      %broadcast_in_dim3A_124 = vector.broadcast %squeeze3A_123 : f32 to vector<16xf32>
      %slice3A_125 = vector.extract_strided_slice %get3A_106 {offsets = [4], sizes = [1], strides = [1]} : vector<16xf32> to vector<1xf32>
      %squeeze3A_126 = vector.extract %slice3A_125[0] : f32 from vector<1xf32>
      %broadcast_in_dim3A_127 = vector.broadcast %squeeze3A_126 : f32 to vector<16xf32>
      %slice3A_128 = vector.extract_strided_slice %get3A_106 {offsets = [5], sizes = [1], strides = [1]} : vector<16xf32> to vector<1xf32>
      %squeeze3A_129 = vector.extract %slice3A_128[0] : f32 from vector<1xf32>
      %broadcast_in_dim3A_130 = vector.broadcast %squeeze3A_129 : f32 to vector<16xf32>
      %slice3A_131 = vector.extract_strided_slice %get3A_106 {offsets = [6], sizes = [1], strides = [1]} : vector<16xf32> to vector<1xf32>
      %squeeze3A_132 = vector.extract %slice3A_131[0] : f32 from vector<1xf32>
      %broadcast_in_dim3A_133 = vector.broadcast %squeeze3A_132 : f32 to vector<16xf32>
      %slice3A_134 = vector.extract_strided_slice %get3A_106 {offsets = [7], sizes = [1], strides = [1]} : vector<16xf32> to vector<1xf32>
      %squeeze3A_135 = vector.extract %slice3A_134[0] : f32 from vector<1xf32>
      %broadcast_in_dim3A_136 = vector.broadcast %squeeze3A_135 : f32 to vector<16xf32>
      %slice3A_137 = vector.extract_strided_slice %get3A_108 {offsets = [0], sizes = [1], strides = [1]} : vector<16xf32> to vector<1xf32>
      %squeeze3A_138 = vector.extract %slice3A_137[0] : f32 from vector<1xf32>
      %broadcast_in_dim3A_139 = vector.broadcast %squeeze3A_138 : f32 to vector<16xf32>
      %slice3A_140 = vector.extract_strided_slice %get3A_108 {offsets = [1], sizes = [1], strides = [1]} : vector<16xf32> to vector<1xf32>
      %squeeze3A_141 = vector.extract %slice3A_140[0] : f32 from vector<1xf32>
      %broadcast_in_dim3A_142 = vector.broadcast %squeeze3A_141 : f32 to vector<16xf32>
      %slice3A_143 = vector.extract_strided_slice %get3A_108 {offsets = [2], sizes = [1], strides = [1]} : vector<16xf32> to vector<1xf32>
      %squeeze3A_144 = vector.extract %slice3A_143[0] : f32 from vector<1xf32>
      %broadcast_in_dim3A_145 = vector.broadcast %squeeze3A_144 : f32 to vector<16xf32>
      %slice3A_146 = vector.extract_strided_slice %get3A_108 {offsets = [3], sizes = [1], strides = [1]} : vector<16xf32> to vector<1xf32>
      %squeeze3A_147 = vector.extract %slice3A_146[0] : f32 from vector<1xf32>
      %broadcast_in_dim3A_148 = vector.broadcast %squeeze3A_147 : f32 to vector<16xf32>
      %slice3A_149 = vector.extract_strided_slice %get3A_108 {offsets = [4], sizes = [1], strides = [1]} : vector<16xf32> to vector<1xf32>
      %squeeze3A_150 = vector.extract %slice3A_149[0] : f32 from vector<1xf32>
      %broadcast_in_dim3A_151 = vector.broadcast %squeeze3A_150 : f32 to vector<16xf32>
      %slice3A_152 = vector.extract_strided_slice %get3A_108 {offsets = [5], sizes = [1], strides = [1]} : vector<16xf32> to vector<1xf32>
      %squeeze3A_153 = vector.extract %slice3A_152[0] : f32 from vector<1xf32>
      %broadcast_in_dim3A_154 = vector.broadcast %squeeze3A_153 : f32 to vector<16xf32>
      %slice3A_155 = vector.extract_strided_slice %get3A_108 {offsets = [6], sizes = [1], strides = [1]} : vector<16xf32> to vector<1xf32>
      %squeeze3A_156 = vector.extract %slice3A_155[0] : f32 from vector<1xf32>
      %broadcast_in_dim3A_157 = vector.broadcast %squeeze3A_156 : f32 to vector<16xf32>
      %slice3A_158 = vector.extract_strided_slice %get3A_108 {offsets = [7], sizes = [1], strides = [1]} : vector<16xf32> to vector<1xf32>
      %squeeze3A_159 = vector.extract %slice3A_158[0] : f32 from vector<1xf32>
      %broadcast_in_dim3A_160 = vector.broadcast %squeeze3A_159 : f32 to vector<16xf32>
      %slice3A_161 = vector.extract_strided_slice %get3A_110 {offsets = [0], sizes = [1], strides = [1]} : vector<16xf32> to vector<1xf32>
      %squeeze3A_162 = vector.extract %slice3A_161[0] : f32 from vector<1xf32>
      %broadcast_in_dim3A_163 = vector.broadcast %squeeze3A_162 : f32 to vector<16xf32>
      %slice3A_164 = vector.extract_strided_slice %get3A_110 {offsets = [1], sizes = [1], strides = [1]} : vector<16xf32> to vector<1xf32>
      %squeeze3A_165 = vector.extract %slice3A_164[0] : f32 from vector<1xf32>
      %broadcast_in_dim3A_166 = vector.broadcast %squeeze3A_165 : f32 to vector<16xf32>
      %slice3A_167 = vector.extract_strided_slice %get3A_110 {offsets = [2], sizes = [1], strides = [1]} : vector<16xf32> to vector<1xf32>
      %squeeze3A_168 = vector.extract %slice3A_167[0] : f32 from vector<1xf32>
      %broadcast_in_dim3A_169 = vector.broadcast %squeeze3A_168 : f32 to vector<16xf32>
      %slice3A_170 = vector.extract_strided_slice %get3A_110 {offsets = [3], sizes = [1], strides = [1]} : vector<16xf32> to vector<1xf32>
      %squeeze3A_171 = vector.extract %slice3A_170[0] : f32 from vector<1xf32>
      %broadcast_in_dim3A_172 = vector.broadcast %squeeze3A_171 : f32 to vector<16xf32>
      %slice3A_173 = vector.extract_strided_slice %get3A_110 {offsets = [4], sizes = [1], strides = [1]} : vector<16xf32> to vector<1xf32>
      %squeeze3A_174 = vector.extract %slice3A_173[0] : f32 from vector<1xf32>
      %broadcast_in_dim3A_175 = vector.broadcast %squeeze3A_174 : f32 to vector<16xf32>
      %slice3A_176 = vector.extract_strided_slice %get3A_110 {offsets = [5], sizes = [1], strides = [1]} : vector<16xf32> to vector<1xf32>
      %squeeze3A_177 = vector.extract %slice3A_176[0] : f32 from vector<1xf32>
      %broadcast_in_dim3A_178 = vector.broadcast %squeeze3A_177 : f32 to vector<16xf32>
      %slice3A_179 = vector.extract_strided_slice %get3A_110 {offsets = [6], sizes = [1], strides = [1]} : vector<16xf32> to vector<1xf32>
      %squeeze3A_180 = vector.extract %slice3A_179[0] : f32 from vector<1xf32>
      %broadcast_in_dim3A_181 = vector.broadcast %squeeze3A_180 : f32 to vector<16xf32>
      %slice3A_182 = vector.extract_strided_slice %get3A_110 {offsets = [7], sizes = [1], strides = [1]} : vector<16xf32> to vector<1xf32>
      %squeeze3A_183 = vector.extract %slice3A_182[0] : f32 from vector<1xf32>
      %broadcast_in_dim3A_184 = vector.broadcast %squeeze3A_183 : f32 to vector<16xf32>
      %scan3A_185 = arith.constant 0 : i32
      %scan3A_186 = arith.constant 128 : i32
      %scan3A_187 = arith.addi %scan3A_185, %scan3A_186 : i32
      %scan3A_188 = arith.constant 1 : i32
      %scan3A_189:8 = scf.for %scan3A_872 = %scan3A_185 to %scan3A_187 step %scan3A_188 iter_args(%scan3A_873 = %broadcast_in_dim3A_78, %scan3A_874 = %broadcast_in_dim3A_78, %scan3A_875 = %broadcast_in_dim3A_78, %scan3A_876 = %broadcast_in_dim3A_78, %scan3A_877 = %broadcast_in_dim3A_78, %scan3A_878 = %broadcast_in_dim3A_78, %scan3A_879 = %broadcast_in_dim3A_78, %scan3A_880 = %broadcast_in_dim3A_78) -> (vector<16xf32>, vector<16xf32>, vector<16xf32>, vector<16xf32>, vector<16xf32>, vector<16xf32>, vector<16xf32>, vector<16xf32>)  : i32 {
        %mul3A_881 = arith.constant 16 : i32
        %mul3A_882 = arith.muli %scan3A_872, %mul3A_881 : i32
        %get3A_883 = arith.index_cast %mul3A_882 : i32 to index
        %get3A_884 = tpu.vector_load %arg10[%get3A_883] {strides = array<i32>} : memref<2048xf32, #tpu.memory_space<vmem>>, vector<16xf32>,
        %get3A_885 = arith.index_cast %mul3A_882 : i32 to index
        %get3A_886 = tpu.vector_load %arg11[%get3A_885] {strides = array<i32>} : memref<2048xf32, #tpu.memory_space<vmem>>, vector<16xf32>,
        %get3A_887 = arith.index_cast %mul3A_882 : i32 to index
        %get3A_888 = tpu.vector_load %arg12[%get3A_887] {strides = array<i32>} : memref<2048xf32, #tpu.memory_space<vmem>>, vector<16xf32>,
        %get3A_889 = arith.index_cast %mul3A_882 : i32 to index
        %get3A_890 = tpu.vector_load %arg13[%get3A_889] {strides = array<i32>} : memref<2048xf32, #tpu.memory_space<vmem>>, vector<16xf32>,
        %mul3A_891 = arith.mulf %broadcast_in_dim3A_115, %get3A_884 : vector<16xf32>
        %add3A_892 = arith.addf %get3A_890, %mul3A_891 : vector<16xf32>
        %mul3A_893 = arith.mulf %broadcast_in_dim3A_139, %get3A_886 : vector<16xf32>
        %add3A_894 = arith.addf %add3A_892, %mul3A_893 : vector<16xf32>
        %mul3A_895 = arith.mulf %broadcast_in_dim3A_163, %get3A_888 : vector<16xf32>
        %add3A_896 = arith.addf %add3A_894, %mul3A_895 : vector<16xf32>
        %min3A = arith.minimumf %scan3A_873, %add3A_896 : vector<16xf32>
        %mul3A_897 = arith.mulf %broadcast_in_dim3A_118, %get3A_884 : vector<16xf32>
        %add3A_898 = arith.addf %get3A_890, %mul3A_897 : vector<16xf32>
        %mul3A_899 = arith.mulf %broadcast_in_dim3A_142, %get3A_886 : vector<16xf32>
        %add3A_900 = arith.addf %add3A_898, %mul3A_899 : vector<16xf32>
        %mul3A_901 = arith.mulf %broadcast_in_dim3A_166, %get3A_888 : vector<16xf32>
        %add3A_902 = arith.addf %add3A_900, %mul3A_901 : vector<16xf32>
        %min3A_903 = arith.minimumf %scan3A_874, %add3A_902 : vector<16xf32>
        %mul3A_904 = arith.mulf %broadcast_in_dim3A_121, %get3A_884 : vector<16xf32>
        %add3A_905 = arith.addf %get3A_890, %mul3A_904 : vector<16xf32>
        %mul3A_906 = arith.mulf %broadcast_in_dim3A_145, %get3A_886 : vector<16xf32>
        %add3A_907 = arith.addf %add3A_905, %mul3A_906 : vector<16xf32>
        %mul3A_908 = arith.mulf %broadcast_in_dim3A_169, %get3A_888 : vector<16xf32>
        %add3A_909 = arith.addf %add3A_907, %mul3A_908 : vector<16xf32>
        %min3A_910 = arith.minimumf %scan3A_875, %add3A_909 : vector<16xf32>
        %mul3A_911 = arith.mulf %broadcast_in_dim3A_124, %get3A_884 : vector<16xf32>
        %add3A_912 = arith.addf %get3A_890, %mul3A_911 : vector<16xf32>
        %mul3A_913 = arith.mulf %broadcast_in_dim3A_148, %get3A_886 : vector<16xf32>
        %add3A_914 = arith.addf %add3A_912, %mul3A_913 : vector<16xf32>
        %mul3A_915 = arith.mulf %broadcast_in_dim3A_172, %get3A_888 : vector<16xf32>
        %add3A_916 = arith.addf %add3A_914, %mul3A_915 : vector<16xf32>
        %min3A_917 = arith.minimumf %scan3A_876, %add3A_916 : vector<16xf32>
        %mul3A_918 = arith.mulf %broadcast_in_dim3A_127, %get3A_884 : vector<16xf32>
        %add3A_919 = arith.addf %get3A_890, %mul3A_918 : vector<16xf32>
        %mul3A_920 = arith.mulf %broadcast_in_dim3A_151, %get3A_886 : vector<16xf32>
        %add3A_921 = arith.addf %add3A_919, %mul3A_920 : vector<16xf32>
        %mul3A_922 = arith.mulf %broadcast_in_dim3A_175, %get3A_888 : vector<16xf32>
        %add3A_923 = arith.addf %add3A_921, %mul3A_922 : vector<16xf32>
        %min3A_924 = arith.minimumf %scan3A_877, %add3A_923 : vector<16xf32>
        %mul3A_925 = arith.mulf %broadcast_in_dim3A_130, %get3A_884 : vector<16xf32>
        %add3A_926 = arith.addf %get3A_890, %mul3A_925 : vector<16xf32>
        %mul3A_927 = arith.mulf %broadcast_in_dim3A_154, %get3A_886 : vector<16xf32>
        %add3A_928 = arith.addf %add3A_926, %mul3A_927 : vector<16xf32>
        %mul3A_929 = arith.mulf %broadcast_in_dim3A_178, %get3A_888 : vector<16xf32>
        %add3A_930 = arith.addf %add3A_928, %mul3A_929 : vector<16xf32>
        %min3A_931 = arith.minimumf %scan3A_878, %add3A_930 : vector<16xf32>
        %mul3A_932 = arith.mulf %broadcast_in_dim3A_133, %get3A_884 : vector<16xf32>
        %add3A_933 = arith.addf %get3A_890, %mul3A_932 : vector<16xf32>
        %mul3A_934 = arith.mulf %broadcast_in_dim3A_157, %get3A_886 : vector<16xf32>
        %add3A_935 = arith.addf %add3A_933, %mul3A_934 : vector<16xf32>
        %mul3A_936 = arith.mulf %broadcast_in_dim3A_181, %get3A_888 : vector<16xf32>
        %add3A_937 = arith.addf %add3A_935, %mul3A_936 : vector<16xf32>
        %min3A_938 = arith.minimumf %scan3A_879, %add3A_937 : vector<16xf32>
        %mul3A_939 = arith.mulf %broadcast_in_dim3A_136, %get3A_884 : vector<16xf32>
        %add3A_940 = arith.addf %get3A_890, %mul3A_939 : vector<16xf32>
        %mul3A_941 = arith.mulf %broadcast_in_dim3A_160, %get3A_886 : vector<16xf32>
        %add3A_942 = arith.addf %add3A_940, %mul3A_941 : vector<16xf32>
        %mul3A_943 = arith.mulf %broadcast_in_dim3A_184, %get3A_888 : vector<16xf32>
        %add3A_944 = arith.addf %add3A_942, %mul3A_943 : vector<16xf32>
        %min3A_945 = arith.minimumf %scan3A_880, %add3A_944 : vector<16xf32>
        scf.yield %min3A, %min3A_903, %min3A_910, %min3A_917, %min3A_924, %min3A_931, %min3A_938, %min3A_945 : vector<16xf32>, vector<16xf32>, vector<16xf32>, vector<16xf32>, vector<16xf32>, vector<16xf32>, vector<16xf32>, vector<16xf32>
      }
      %scan3A_190 = arith.constant 128 : i32
      %reduce_min3A = arith.constant true
      %reduce_min3A_191 = vector.broadcast %reduce_min3A : i1 to vector<16xi1>
      %reduce_min3A_192 = tpu.scan <min>, %scan3A_189#0 masked %reduce_min3A_191 : vector<16xf32>, vector<16xi1> -> vector<16xf32>
      %reduce_min3A_193 = vector.extract %reduce_min3A_192[15] : f32 from vector<16xf32>
      %slice3A_194 = vector.extract_strided_slice %get3A_112 {offsets = [0], sizes = [1], strides = [1]} : vector<16xf32> to vector<1xf32>
      %squeeze3A_195 = vector.extract %slice3A_194[0] : f32 from vector<1xf32>
      %add3A_196 = arith.addf %reduce_min3A_193, %squeeze3A_195 : f32
      %max3A = arith.constant 0.000000e+00 : f32
      %max3A_197 = arith.maximumf %add3A_196, %max3A : f32
      %bitcast_convert_type3A = arith.bitcast %max3A_197 : f32 to i32
      %shift_right_arithmetic3A = arith.constant 1 : i32
      %shift_right_arithmetic3A_198 = arith.shrsi %bitcast_convert_type3A, %shift_right_arithmetic3A : i32
      %sub3A = arith.constant 1597463007 : i32
      %sub3A_199 = arith.subi %sub3A, %shift_right_arithmetic3A_198 : i32
      %bitcast_convert_type3A_200 = arith.bitcast %sub3A_199 : i32 to f32
      %mul3A_201 = arith.constant 5.000000e-01 : f32
      %mul3A_202 = arith.mulf %mul3A_201, %max3A_197 : f32
      %mul3A_203 = arith.mulf %mul3A_202, %bitcast_convert_type3A_200 : f32
      %mul3A_204 = arith.mulf %mul3A_203, %bitcast_convert_type3A_200 : f32
      %sub3A_205 = arith.constant 1.500000e+00 : f32
      %sub3A_206 = arith.subf %sub3A_205, %mul3A_204 : f32
      %mul3A_207 = arith.mulf %bitcast_convert_type3A_200, %sub3A_206 : f32
      %mul3A_208 = arith.constant 5.000000e-01 : f32
      %mul3A_209 = arith.mulf %mul3A_208, %max3A_197 : f32
      %mul3A_210 = arith.mulf %mul3A_209, %mul3A_207 : f32
      %mul3A_211 = arith.mulf %mul3A_210, %mul3A_207 : f32
      %sub3A_212 = arith.constant 1.500000e+00 : f32
      %sub3A_213 = arith.subf %sub3A_212, %mul3A_211 : f32
      %mul3A_214 = arith.mulf %mul3A_207, %sub3A_213 : f32
      %mul3A_215 = arith.constant 5.000000e-01 : f32
      %mul3A_216 = arith.mulf %mul3A_215, %max3A_197 : f32
      %mul3A_217 = arith.mulf %mul3A_216, %mul3A_214 : f32
      %mul3A_218 = arith.mulf %mul3A_217, %mul3A_214 : f32
      %sub3A_219 = arith.constant 1.500000e+00 : f32
      %sub3A_220 = arith.subf %sub3A_219, %mul3A_218 : f32
      %mul3A_221 = arith.mulf %mul3A_214, %sub3A_220 : f32
      %mul3A_222 = arith.mulf %max3A_197, %mul3A_221 : f32
      %add3A_223 = arith.addf %scan3A_102, %mul3A_222 : f32
      %reduce_min3A_224 = arith.constant true
      %reduce_min3A_225 = vector.broadcast %reduce_min3A_224 : i1 to vector<16xi1>
      %reduce_min3A_226 = tpu.scan <min>, %scan3A_189#1 masked %reduce_min3A_225 : vector<16xf32>, vector<16xi1> -> vector<16xf32>
      %reduce_min3A_227 = vector.extract %reduce_min3A_226[15] : f32 from vector<16xf32>
      %slice3A_228 = vector.extract_strided_slice %get3A_112 {offsets = [1], sizes = [1], strides = [1]} : vector<16xf32> to vector<1xf32>
      %squeeze3A_229 = vector.extract %slice3A_228[0] : f32 from vector<1xf32>
      %add3A_230 = arith.addf %reduce_min3A_227, %squeeze3A_229 : f32
      %max3A_231 = arith.constant 0.000000e+00 : f32
      %max3A_232 = arith.maximumf %add3A_230, %max3A_231 : f32
      %bitcast_convert_type3A_233 = arith.bitcast %max3A_232 : f32 to i32
      %shift_right_arithmetic3A_234 = arith.constant 1 : i32
      %shift_right_arithmetic3A_235 = arith.shrsi %bitcast_convert_type3A_233, %shift_right_arithmetic3A_234 : i32
      %sub3A_236 = arith.constant 1597463007 : i32
      %sub3A_237 = arith.subi %sub3A_236, %shift_right_arithmetic3A_235 : i32
      %bitcast_convert_type3A_238 = arith.bitcast %sub3A_237 : i32 to f32
      %mul3A_239 = arith.constant 5.000000e-01 : f32
      %mul3A_240 = arith.mulf %mul3A_239, %max3A_232 : f32
      %mul3A_241 = arith.mulf %mul3A_240, %bitcast_convert_type3A_238 : f32
      %mul3A_242 = arith.mulf %mul3A_241, %bitcast_convert_type3A_238 : f32
      %sub3A_243 = arith.constant 1.500000e+00 : f32
      %sub3A_244 = arith.subf %sub3A_243, %mul3A_242 : f32
      %mul3A_245 = arith.mulf %bitcast_convert_type3A_238, %sub3A_244 : f32
      %mul3A_246 = arith.constant 5.000000e-01 : f32
      %mul3A_247 = arith.mulf %mul3A_246, %max3A_232 : f32
      %mul3A_248 = arith.mulf %mul3A_247, %mul3A_245 : f32
      %mul3A_249 = arith.mulf %mul3A_248, %mul3A_245 : f32
      %sub3A_250 = arith.constant 1.500000e+00 : f32
      %sub3A_251 = arith.subf %sub3A_250, %mul3A_249 : f32
      %mul3A_252 = arith.mulf %mul3A_245, %sub3A_251 : f32
      %mul3A_253 = arith.constant 5.000000e-01 : f32
      %mul3A_254 = arith.mulf %mul3A_253, %max3A_232 : f32
      %mul3A_255 = arith.mulf %mul3A_254, %mul3A_252 : f32
      %mul3A_256 = arith.mulf %mul3A_255, %mul3A_252 : f32
      %sub3A_257 = arith.constant 1.500000e+00 : f32
      %sub3A_258 = arith.subf %sub3A_257, %mul3A_256 : f32
      %mul3A_259 = arith.mulf %mul3A_252, %sub3A_258 : f32
      %mul3A_260 = arith.mulf %max3A_232, %mul3A_259 : f32
      %add3A_261 = arith.addf %add3A_223, %mul3A_260 : f32
      %reduce_min3A_262 = arith.constant true
      %reduce_min3A_263 = vector.broadcast %reduce_min3A_262 : i1 to vector<16xi1>
      %reduce_min3A_264 = tpu.scan <min>, %scan3A_189#2 masked %reduce_min3A_263 : vector<16xf32>, vector<16xi1> -> vector<16xf32>
      %reduce_min3A_265 = vector.extract %reduce_min3A_264[15] : f32 from vector<16xf32>
      %slice3A_266 = vector.extract_strided_slice %get3A_112 {offsets = [2], sizes = [1], strides = [1]} : vector<16xf32> to vector<1xf32>
      %squeeze3A_267 = vector.extract %slice3A_266[0] : f32 from vector<1xf32>
      %add3A_268 = arith.addf %reduce_min3A_265, %squeeze3A_267 : f32
      %max3A_269 = arith.constant 0.000000e+00 : f32
      %max3A_270 = arith.maximumf %add3A_268, %max3A_269 : f32
      %bitcast_convert_type3A_271 = arith.bitcast %max3A_270 : f32 to i32
      %shift_right_arithmetic3A_272 = arith.constant 1 : i32
      %shift_right_arithmetic3A_273 = arith.shrsi %bitcast_convert_type3A_271, %shift_right_arithmetic3A_272 : i32
      %sub3A_274 = arith.constant 1597463007 : i32
      %sub3A_275 = arith.subi %sub3A_274, %shift_right_arithmetic3A_273 : i32
      %bitcast_convert_type3A_276 = arith.bitcast %sub3A_275 : i32 to f32
      %mul3A_277 = arith.constant 5.000000e-01 : f32
      %mul3A_278 = arith.mulf %mul3A_277, %max3A_270 : f32
      %mul3A_279 = arith.mulf %mul3A_278, %bitcast_convert_type3A_276 : f32
      %mul3A_280 = arith.mulf %mul3A_279, %bitcast_convert_type3A_276 : f32
      %sub3A_281 = arith.constant 1.500000e+00 : f32
      %sub3A_282 = arith.subf %sub3A_281, %mul3A_280 : f32
      %mul3A_283 = arith.mulf %bitcast_convert_type3A_276, %sub3A_282 : f32
      %mul3A_284 = arith.constant 5.000000e-01 : f32
      %mul3A_285 = arith.mulf %mul3A_284, %max3A_270 : f32
      %mul3A_286 = arith.mulf %mul3A_285, %mul3A_283 : f32
      %mul3A_287 = arith.mulf %mul3A_286, %mul3A_283 : f32
      %sub3A_288 = arith.constant 1.500000e+00 : f32
      %sub3A_289 = arith.subf %sub3A_288, %mul3A_287 : f32
      %mul3A_290 = arith.mulf %mul3A_283, %sub3A_289 : f32
      %mul3A_291 = arith.constant 5.000000e-01 : f32
      %mul3A_292 = arith.mulf %mul3A_291, %max3A_270 : f32
      %mul3A_293 = arith.mulf %mul3A_292, %mul3A_290 : f32
      %mul3A_294 = arith.mulf %mul3A_293, %mul3A_290 : f32
      %sub3A_295 = arith.constant 1.500000e+00 : f32
      %sub3A_296 = arith.subf %sub3A_295, %mul3A_294 : f32
      %mul3A_297 = arith.mulf %mul3A_290, %sub3A_296 : f32
      %mul3A_298 = arith.mulf %max3A_270, %mul3A_297 : f32
      %add3A_299 = arith.addf %add3A_261, %mul3A_298 : f32
      %reduce_min3A_300 = arith.constant true
      %reduce_min3A_301 = vector.broadcast %reduce_min3A_300 : i1 to vector<16xi1>
      %reduce_min3A_302 = tpu.scan <min>, %scan3A_189#3 masked %reduce_min3A_301 : vector<16xf32>, vector<16xi1> -> vector<16xf32>
      %reduce_min3A_303 = vector.extract %reduce_min3A_302[15] : f32 from vector<16xf32>
      %slice3A_304 = vector.extract_strided_slice %get3A_112 {offsets = [3], sizes = [1], strides = [1]} : vector<16xf32> to vector<1xf32>
      %squeeze3A_305 = vector.extract %slice3A_304[0] : f32 from vector<1xf32>
      %add3A_306 = arith.addf %reduce_min3A_303, %squeeze3A_305 : f32
      %max3A_307 = arith.constant 0.000000e+00 : f32
      %max3A_308 = arith.maximumf %add3A_306, %max3A_307 : f32
      %bitcast_convert_type3A_309 = arith.bitcast %max3A_308 : f32 to i32
      %shift_right_arithmetic3A_310 = arith.constant 1 : i32
      %shift_right_arithmetic3A_311 = arith.shrsi %bitcast_convert_type3A_309, %shift_right_arithmetic3A_310 : i32
      %sub3A_312 = arith.constant 1597463007 : i32
      %sub3A_313 = arith.subi %sub3A_312, %shift_right_arithmetic3A_311 : i32
      %bitcast_convert_type3A_314 = arith.bitcast %sub3A_313 : i32 to f32
      %mul3A_315 = arith.constant 5.000000e-01 : f32
      %mul3A_316 = arith.mulf %mul3A_315, %max3A_308 : f32
      %mul3A_317 = arith.mulf %mul3A_316, %bitcast_convert_type3A_314 : f32
      %mul3A_318 = arith.mulf %mul3A_317, %bitcast_convert_type3A_314 : f32
      %sub3A_319 = arith.constant 1.500000e+00 : f32
      %sub3A_320 = arith.subf %sub3A_319, %mul3A_318 : f32
      %mul3A_321 = arith.mulf %bitcast_convert_type3A_314, %sub3A_320 : f32
      %mul3A_322 = arith.constant 5.000000e-01 : f32
      %mul3A_323 = arith.mulf %mul3A_322, %max3A_308 : f32
      %mul3A_324 = arith.mulf %mul3A_323, %mul3A_321 : f32
      %mul3A_325 = arith.mulf %mul3A_324, %mul3A_321 : f32
      %sub3A_326 = arith.constant 1.500000e+00 : f32
      %sub3A_327 = arith.subf %sub3A_326, %mul3A_325 : f32
      %mul3A_328 = arith.mulf %mul3A_321, %sub3A_327 : f32
      %mul3A_329 = arith.constant 5.000000e-01 : f32
      %mul3A_330 = arith.mulf %mul3A_329, %max3A_308 : f32
      %mul3A_331 = arith.mulf %mul3A_330, %mul3A_328 : f32
      %mul3A_332 = arith.mulf %mul3A_331, %mul3A_328 : f32
      %sub3A_333 = arith.constant 1.500000e+00 : f32
      %sub3A_334 = arith.subf %sub3A_333, %mul3A_332 : f32
      %mul3A_335 = arith.mulf %mul3A_328, %sub3A_334 : f32
      %mul3A_336 = arith.mulf %max3A_308, %mul3A_335 : f32
      %add3A_337 = arith.addf %add3A_299, %mul3A_336 : f32
      %reduce_min3A_338 = arith.constant true
      %reduce_min3A_339 = vector.broadcast %reduce_min3A_338 : i1 to vector<16xi1>
      %reduce_min3A_340 = tpu.scan <min>, %scan3A_189#4 masked %reduce_min3A_339 : vector<16xf32>, vector<16xi1> -> vector<16xf32>
      %reduce_min3A_341 = vector.extract %reduce_min3A_340[15] : f32 from vector<16xf32>
      %slice3A_342 = vector.extract_strided_slice %get3A_112 {offsets = [4], sizes = [1], strides = [1]} : vector<16xf32> to vector<1xf32>
      %squeeze3A_343 = vector.extract %slice3A_342[0] : f32 from vector<1xf32>
      %add3A_344 = arith.addf %reduce_min3A_341, %squeeze3A_343 : f32
      %max3A_345 = arith.constant 0.000000e+00 : f32
      %max3A_346 = arith.maximumf %add3A_344, %max3A_345 : f32
      %bitcast_convert_type3A_347 = arith.bitcast %max3A_346 : f32 to i32
      %shift_right_arithmetic3A_348 = arith.constant 1 : i32
      %shift_right_arithmetic3A_349 = arith.shrsi %bitcast_convert_type3A_347, %shift_right_arithmetic3A_348 : i32
      %sub3A_350 = arith.constant 1597463007 : i32
      %sub3A_351 = arith.subi %sub3A_350, %shift_right_arithmetic3A_349 : i32
      %bitcast_convert_type3A_352 = arith.bitcast %sub3A_351 : i32 to f32
      %mul3A_353 = arith.constant 5.000000e-01 : f32
      %mul3A_354 = arith.mulf %mul3A_353, %max3A_346 : f32
      %mul3A_355 = arith.mulf %mul3A_354, %bitcast_convert_type3A_352 : f32
      %mul3A_356 = arith.mulf %mul3A_355, %bitcast_convert_type3A_352 : f32
      %sub3A_357 = arith.constant 1.500000e+00 : f32
      %sub3A_358 = arith.subf %sub3A_357, %mul3A_356 : f32
      %mul3A_359 = arith.mulf %bitcast_convert_type3A_352, %sub3A_358 : f32
      %mul3A_360 = arith.constant 5.000000e-01 : f32
      %mul3A_361 = arith.mulf %mul3A_360, %max3A_346 : f32
      %mul3A_362 = arith.mulf %mul3A_361, %mul3A_359 : f32
      %mul3A_363 = arith.mulf %mul3A_362, %mul3A_359 : f32
      %sub3A_364 = arith.constant 1.500000e+00 : f32
      %sub3A_365 = arith.subf %sub3A_364, %mul3A_363 : f32
      %mul3A_366 = arith.mulf %mul3A_359, %sub3A_365 : f32
      %mul3A_367 = arith.constant 5.000000e-01 : f32
      %mul3A_368 = arith.mulf %mul3A_367, %max3A_346 : f32
      %mul3A_369 = arith.mulf %mul3A_368, %mul3A_366 : f32
      %mul3A_370 = arith.mulf %mul3A_369, %mul3A_366 : f32
      %sub3A_371 = arith.constant 1.500000e+00 : f32
      %sub3A_372 = arith.subf %sub3A_371, %mul3A_370 : f32
      %mul3A_373 = arith.mulf %mul3A_366, %sub3A_372 : f32
      %mul3A_374 = arith.mulf %max3A_346, %mul3A_373 : f32
      %add3A_375 = arith.addf %add3A_337, %mul3A_374 : f32
      %reduce_min3A_376 = arith.constant true
      %reduce_min3A_377 = vector.broadcast %reduce_min3A_376 : i1 to vector<16xi1>
      %reduce_min3A_378 = tpu.scan <min>, %scan3A_189#5 masked %reduce_min3A_377 : vector<16xf32>, vector<16xi1> -> vector<16xf32>
      %reduce_min3A_379 = vector.extract %reduce_min3A_378[15] : f32 from vector<16xf32>
      %slice3A_380 = vector.extract_strided_slice %get3A_112 {offsets = [5], sizes = [1], strides = [1]} : vector<16xf32> to vector<1xf32>
      %squeeze3A_381 = vector.extract %slice3A_380[0] : f32 from vector<1xf32>
      %add3A_382 = arith.addf %reduce_min3A_379, %squeeze3A_381 : f32
      %max3A_383 = arith.constant 0.000000e+00 : f32
      %max3A_384 = arith.maximumf %add3A_382, %max3A_383 : f32
      %bitcast_convert_type3A_385 = arith.bitcast %max3A_384 : f32 to i32
      %shift_right_arithmetic3A_386 = arith.constant 1 : i32
      %shift_right_arithmetic3A_387 = arith.shrsi %bitcast_convert_type3A_385, %shift_right_arithmetic3A_386 : i32
      %sub3A_388 = arith.constant 1597463007 : i32
      %sub3A_389 = arith.subi %sub3A_388, %shift_right_arithmetic3A_387 : i32
      %bitcast_convert_type3A_390 = arith.bitcast %sub3A_389 : i32 to f32
      %mul3A_391 = arith.constant 5.000000e-01 : f32
      %mul3A_392 = arith.mulf %mul3A_391, %max3A_384 : f32
      %mul3A_393 = arith.mulf %mul3A_392, %bitcast_convert_type3A_390 : f32
      %mul3A_394 = arith.mulf %mul3A_393, %bitcast_convert_type3A_390 : f32
      %sub3A_395 = arith.constant 1.500000e+00 : f32
      %sub3A_396 = arith.subf %sub3A_395, %mul3A_394 : f32
      %mul3A_397 = arith.mulf %bitcast_convert_type3A_390, %sub3A_396 : f32
      %mul3A_398 = arith.constant 5.000000e-01 : f32
      %mul3A_399 = arith.mulf %mul3A_398, %max3A_384 : f32
      %mul3A_400 = arith.mulf %mul3A_399, %mul3A_397 : f32
      %mul3A_401 = arith.mulf %mul3A_400, %mul3A_397 : f32
      %sub3A_402 = arith.constant 1.500000e+00 : f32
      %sub3A_403 = arith.subf %sub3A_402, %mul3A_401 : f32
      %mul3A_404 = arith.mulf %mul3A_397, %sub3A_403 : f32
      %mul3A_405 = arith.constant 5.000000e-01 : f32
      %mul3A_406 = arith.mulf %mul3A_405, %max3A_384 : f32
      %mul3A_407 = arith.mulf %mul3A_406, %mul3A_404 : f32
      %mul3A_408 = arith.mulf %mul3A_407, %mul3A_404 : f32
      %sub3A_409 = arith.constant 1.500000e+00 : f32
      %sub3A_410 = arith.subf %sub3A_409, %mul3A_408 : f32
      %mul3A_411 = arith.mulf %mul3A_404, %sub3A_410 : f32
      %mul3A_412 = arith.mulf %max3A_384, %mul3A_411 : f32
      %add3A_413 = arith.addf %add3A_375, %mul3A_412 : f32
      %reduce_min3A_414 = arith.constant true
      %reduce_min3A_415 = vector.broadcast %reduce_min3A_414 : i1 to vector<16xi1>
      %reduce_min3A_416 = tpu.scan <min>, %scan3A_189#6 masked %reduce_min3A_415 : vector<16xf32>, vector<16xi1> -> vector<16xf32>
      %reduce_min3A_417 = vector.extract %reduce_min3A_416[15] : f32 from vector<16xf32>
      %slice3A_418 = vector.extract_strided_slice %get3A_112 {offsets = [6], sizes = [1], strides = [1]} : vector<16xf32> to vector<1xf32>
      %squeeze3A_419 = vector.extract %slice3A_418[0] : f32 from vector<1xf32>
      %add3A_420 = arith.addf %reduce_min3A_417, %squeeze3A_419 : f32
      %max3A_421 = arith.constant 0.000000e+00 : f32
      %max3A_422 = arith.maximumf %add3A_420, %max3A_421 : f32
      %bitcast_convert_type3A_423 = arith.bitcast %max3A_422 : f32 to i32
      %shift_right_arithmetic3A_424 = arith.constant 1 : i32
      %shift_right_arithmetic3A_425 = arith.shrsi %bitcast_convert_type3A_423, %shift_right_arithmetic3A_424 : i32
      %sub3A_426 = arith.constant 1597463007 : i32
      %sub3A_427 = arith.subi %sub3A_426, %shift_right_arithmetic3A_425 : i32
      %bitcast_convert_type3A_428 = arith.bitcast %sub3A_427 : i32 to f32
      %mul3A_429 = arith.constant 5.000000e-01 : f32
      %mul3A_430 = arith.mulf %mul3A_429, %max3A_422 : f32
      %mul3A_431 = arith.mulf %mul3A_430, %bitcast_convert_type3A_428 : f32
      %mul3A_432 = arith.mulf %mul3A_431, %bitcast_convert_type3A_428 : f32
      %sub3A_433 = arith.constant 1.500000e+00 : f32
      %sub3A_434 = arith.subf %sub3A_433, %mul3A_432 : f32
      %mul3A_435 = arith.mulf %bitcast_convert_type3A_428, %sub3A_434 : f32
      %mul3A_436 = arith.constant 5.000000e-01 : f32
      %mul3A_437 = arith.mulf %mul3A_436, %max3A_422 : f32
      %mul3A_438 = arith.mulf %mul3A_437, %mul3A_435 : f32
      %mul3A_439 = arith.mulf %mul3A_438, %mul3A_435 : f32
      %sub3A_440 = arith.constant 1.500000e+00 : f32
      %sub3A_441 = arith.subf %sub3A_440, %mul3A_439 : f32
      %mul3A_442 = arith.mulf %mul3A_435, %sub3A_441 : f32
      %mul3A_443 = arith.constant 5.000000e-01 : f32
      %mul3A_444 = arith.mulf %mul3A_443, %max3A_422 : f32
      %mul3A_445 = arith.mulf %mul3A_444, %mul3A_442 : f32
      %mul3A_446 = arith.mulf %mul3A_445, %mul3A_442 : f32
      %sub3A_447 = arith.constant 1.500000e+00 : f32
      %sub3A_448 = arith.subf %sub3A_447, %mul3A_446 : f32
      %mul3A_449 = arith.mulf %mul3A_442, %sub3A_448 : f32
      %mul3A_450 = arith.mulf %max3A_422, %mul3A_449 : f32
      %add3A_451 = arith.addf %add3A_413, %mul3A_450 : f32
      %reduce_min3A_452 = arith.constant true
      %reduce_min3A_453 = vector.broadcast %reduce_min3A_452 : i1 to vector<16xi1>
      %reduce_min3A_454 = tpu.scan <min>, %scan3A_189#7 masked %reduce_min3A_453 : vector<16xf32>, vector<16xi1> -> vector<16xf32>
      %reduce_min3A_455 = vector.extract %reduce_min3A_454[15] : f32 from vector<16xf32>
      %slice3A_456 = vector.extract_strided_slice %get3A_112 {offsets = [7], sizes = [1], strides = [1]} : vector<16xf32> to vector<1xf32>
      %squeeze3A_457 = vector.extract %slice3A_456[0] : f32 from vector<1xf32>
      %add3A_458 = arith.addf %reduce_min3A_455, %squeeze3A_457 : f32
      %max3A_459 = arith.constant 0.000000e+00 : f32
      %max3A_460 = arith.maximumf %add3A_458, %max3A_459 : f32
      %bitcast_convert_type3A_461 = arith.bitcast %max3A_460 : f32 to i32
      %shift_right_arithmetic3A_462 = arith.constant 1 : i32
      %shift_right_arithmetic3A_463 = arith.shrsi %bitcast_convert_type3A_461, %shift_right_arithmetic3A_462 : i32
      %sub3A_464 = arith.constant 1597463007 : i32
      %sub3A_465 = arith.subi %sub3A_464, %shift_right_arithmetic3A_463 : i32
      %bitcast_convert_type3A_466 = arith.bitcast %sub3A_465 : i32 to f32
      %mul3A_467 = arith.constant 5.000000e-01 : f32
      %mul3A_468 = arith.mulf %mul3A_467, %max3A_460 : f32
      %mul3A_469 = arith.mulf %mul3A_468, %bitcast_convert_type3A_466 : f32
      %mul3A_470 = arith.mulf %mul3A_469, %bitcast_convert_type3A_466 : f32
      %sub3A_471 = arith.constant 1.500000e+00 : f32
      %sub3A_472 = arith.subf %sub3A_471, %mul3A_470 : f32
      %mul3A_473 = arith.mulf %bitcast_convert_type3A_466, %sub3A_472 : f32
      %mul3A_474 = arith.constant 5.000000e-01 : f32
      %mul3A_475 = arith.mulf %mul3A_474, %max3A_460 : f32
      %mul3A_476 = arith.mulf %mul3A_475, %mul3A_473 : f32
      %mul3A_477 = arith.mulf %mul3A_476, %mul3A_473 : f32
      %sub3A_478 = arith.constant 1.500000e+00 : f32
      %sub3A_479 = arith.subf %sub3A_478, %mul3A_477 : f32
      %mul3A_480 = arith.mulf %mul3A_473, %sub3A_479 : f32
      %mul3A_481 = arith.constant 5.000000e-01 : f32
      %mul3A_482 = arith.mulf %mul3A_481, %max3A_460 : f32
      %mul3A_483 = arith.mulf %mul3A_482, %mul3A_480 : f32
      %mul3A_484 = arith.mulf %mul3A_483, %mul3A_480 : f32
      %sub3A_485 = arith.constant 1.500000e+00 : f32
      %sub3A_486 = arith.subf %sub3A_485, %mul3A_484 : f32
      %mul3A_487 = arith.mulf %mul3A_480, %sub3A_486 : f32
      %mul3A_488 = arith.mulf %max3A_460, %mul3A_487 : f32
      %add3A_489 = arith.addf %add3A_451, %mul3A_488 : f32
      %slice3A_490 = vector.extract_strided_slice %get3A_106 {offsets = [8], sizes = [1], strides = [1]} : vector<16xf32> to vector<1xf32>
      %squeeze3A_491 = vector.extract %slice3A_490[0] : f32 from vector<1xf32>
      %broadcast_in_dim3A_492 = vector.broadcast %squeeze3A_491 : f32 to vector<16xf32>
      %slice3A_493 = vector.extract_strided_slice %get3A_106 {offsets = [9], sizes = [1], strides = [1]} : vector<16xf32> to vector<1xf32>
      %squeeze3A_494 = vector.extract %slice3A_493[0] : f32 from vector<1xf32>
      %broadcast_in_dim3A_495 = vector.broadcast %squeeze3A_494 : f32 to vector<16xf32>
      %slice3A_496 = vector.extract_strided_slice %get3A_106 {offsets = [10], sizes = [1], strides = [1]} : vector<16xf32> to vector<1xf32>
      %squeeze3A_497 = vector.extract %slice3A_496[0] : f32 from vector<1xf32>
      %broadcast_in_dim3A_498 = vector.broadcast %squeeze3A_497 : f32 to vector<16xf32>
      %slice3A_499 = vector.extract_strided_slice %get3A_106 {offsets = [11], sizes = [1], strides = [1]} : vector<16xf32> to vector<1xf32>
      %squeeze3A_500 = vector.extract %slice3A_499[0] : f32 from vector<1xf32>
      %broadcast_in_dim3A_501 = vector.broadcast %squeeze3A_500 : f32 to vector<16xf32>
      %slice3A_502 = vector.extract_strided_slice %get3A_106 {offsets = [12], sizes = [1], strides = [1]} : vector<16xf32> to vector<1xf32>
      %squeeze3A_503 = vector.extract %slice3A_502[0] : f32 from vector<1xf32>
      %broadcast_in_dim3A_504 = vector.broadcast %squeeze3A_503 : f32 to vector<16xf32>
      %slice3A_505 = vector.extract_strided_slice %get3A_106 {offsets = [13], sizes = [1], strides = [1]} : vector<16xf32> to vector<1xf32>
      %squeeze3A_506 = vector.extract %slice3A_505[0] : f32 from vector<1xf32>
      %broadcast_in_dim3A_507 = vector.broadcast %squeeze3A_506 : f32 to vector<16xf32>
      %slice3A_508 = vector.extract_strided_slice %get3A_106 {offsets = [14], sizes = [1], strides = [1]} : vector<16xf32> to vector<1xf32>
      %squeeze3A_509 = vector.extract %slice3A_508[0] : f32 from vector<1xf32>
      %broadcast_in_dim3A_510 = vector.broadcast %squeeze3A_509 : f32 to vector<16xf32>
      %slice3A_511 = vector.extract_strided_slice %get3A_106 {offsets = [15], sizes = [1], strides = [1]} : vector<16xf32> to vector<1xf32>
      %squeeze3A_512 = vector.extract %slice3A_511[0] : f32 from vector<1xf32>
      %broadcast_in_dim3A_513 = vector.broadcast %squeeze3A_512 : f32 to vector<16xf32>
      %slice3A_514 = vector.extract_strided_slice %get3A_108 {offsets = [8], sizes = [1], strides = [1]} : vector<16xf32> to vector<1xf32>
      %squeeze3A_515 = vector.extract %slice3A_514[0] : f32 from vector<1xf32>
      %broadcast_in_dim3A_516 = vector.broadcast %squeeze3A_515 : f32 to vector<16xf32>
      %slice3A_517 = vector.extract_strided_slice %get3A_108 {offsets = [9], sizes = [1], strides = [1]} : vector<16xf32> to vector<1xf32>
      %squeeze3A_518 = vector.extract %slice3A_517[0] : f32 from vector<1xf32>
      %broadcast_in_dim3A_519 = vector.broadcast %squeeze3A_518 : f32 to vector<16xf32>
      %slice3A_520 = vector.extract_strided_slice %get3A_108 {offsets = [10], sizes = [1], strides = [1]} : vector<16xf32> to vector<1xf32>
      %squeeze3A_521 = vector.extract %slice3A_520[0] : f32 from vector<1xf32>
      %broadcast_in_dim3A_522 = vector.broadcast %squeeze3A_521 : f32 to vector<16xf32>
      %slice3A_523 = vector.extract_strided_slice %get3A_108 {offsets = [11], sizes = [1], strides = [1]} : vector<16xf32> to vector<1xf32>
      %squeeze3A_524 = vector.extract %slice3A_523[0] : f32 from vector<1xf32>
      %broadcast_in_dim3A_525 = vector.broadcast %squeeze3A_524 : f32 to vector<16xf32>
      %slice3A_526 = vector.extract_strided_slice %get3A_108 {offsets = [12], sizes = [1], strides = [1]} : vector<16xf32> to vector<1xf32>
      %squeeze3A_527 = vector.extract %slice3A_526[0] : f32 from vector<1xf32>
      %broadcast_in_dim3A_528 = vector.broadcast %squeeze3A_527 : f32 to vector<16xf32>
      %slice3A_529 = vector.extract_strided_slice %get3A_108 {offsets = [13], sizes = [1], strides = [1]} : vector<16xf32> to vector<1xf32>
      %squeeze3A_530 = vector.extract %slice3A_529[0] : f32 from vector<1xf32>
      %broadcast_in_dim3A_531 = vector.broadcast %squeeze3A_530 : f32 to vector<16xf32>
      %slice3A_532 = vector.extract_strided_slice %get3A_108 {offsets = [14], sizes = [1], strides = [1]} : vector<16xf32> to vector<1xf32>
      %squeeze3A_533 = vector.extract %slice3A_532[0] : f32 from vector<1xf32>
      %broadcast_in_dim3A_534 = vector.broadcast %squeeze3A_533 : f32 to vector<16xf32>
      %slice3A_535 = vector.extract_strided_slice %get3A_108 {offsets = [15], sizes = [1], strides = [1]} : vector<16xf32> to vector<1xf32>
      %squeeze3A_536 = vector.extract %slice3A_535[0] : f32 from vector<1xf32>
      %broadcast_in_dim3A_537 = vector.broadcast %squeeze3A_536 : f32 to vector<16xf32>
      %slice3A_538 = vector.extract_strided_slice %get3A_110 {offsets = [8], sizes = [1], strides = [1]} : vector<16xf32> to vector<1xf32>
      %squeeze3A_539 = vector.extract %slice3A_538[0] : f32 from vector<1xf32>
      %broadcast_in_dim3A_540 = vector.broadcast %squeeze3A_539 : f32 to vector<16xf32>
      %slice3A_541 = vector.extract_strided_slice %get3A_110 {offsets = [9], sizes = [1], strides = [1]} : vector<16xf32> to vector<1xf32>
      %squeeze3A_542 = vector.extract %slice3A_541[0] : f32 from vector<1xf32>
      %broadcast_in_dim3A_543 = vector.broadcast %squeeze3A_542 : f32 to vector<16xf32>
      %slice3A_544 = vector.extract_strided_slice %get3A_110 {offsets = [10], sizes = [1], strides = [1]} : vector<16xf32> to vector<1xf32>
      %squeeze3A_545 = vector.extract %slice3A_544[0] : f32 from vector<1xf32>
      %broadcast_in_dim3A_546 = vector.broadcast %squeeze3A_545 : f32 to vector<16xf32>
      %slice3A_547 = vector.extract_strided_slice %get3A_110 {offsets = [11], sizes = [1], strides = [1]} : vector<16xf32> to vector<1xf32>
      %squeeze3A_548 = vector.extract %slice3A_547[0] : f32 from vector<1xf32>
      %broadcast_in_dim3A_549 = vector.broadcast %squeeze3A_548 : f32 to vector<16xf32>
      %slice3A_550 = vector.extract_strided_slice %get3A_110 {offsets = [12], sizes = [1], strides = [1]} : vector<16xf32> to vector<1xf32>
      %squeeze3A_551 = vector.extract %slice3A_550[0] : f32 from vector<1xf32>
      %broadcast_in_dim3A_552 = vector.broadcast %squeeze3A_551 : f32 to vector<16xf32>
      %slice3A_553 = vector.extract_strided_slice %get3A_110 {offsets = [13], sizes = [1], strides = [1]} : vector<16xf32> to vector<1xf32>
      %squeeze3A_554 = vector.extract %slice3A_553[0] : f32 from vector<1xf32>
      %broadcast_in_dim3A_555 = vector.broadcast %squeeze3A_554 : f32 to vector<16xf32>
      %slice3A_556 = vector.extract_strided_slice %get3A_110 {offsets = [14], sizes = [1], strides = [1]} : vector<16xf32> to vector<1xf32>
      %squeeze3A_557 = vector.extract %slice3A_556[0] : f32 from vector<1xf32>
      %broadcast_in_dim3A_558 = vector.broadcast %squeeze3A_557 : f32 to vector<16xf32>
      %slice3A_559 = vector.extract_strided_slice %get3A_110 {offsets = [15], sizes = [1], strides = [1]} : vector<16xf32> to vector<1xf32>
      %squeeze3A_560 = vector.extract %slice3A_559[0] : f32 from vector<1xf32>
      %broadcast_in_dim3A_561 = vector.broadcast %squeeze3A_560 : f32 to vector<16xf32>
      %scan3A_562 = arith.constant 0 : i32
      %scan3A_563 = arith.constant 128 : i32
      %scan3A_564 = arith.addi %scan3A_562, %scan3A_563 : i32
      %scan3A_565 = arith.constant 1 : i32
      %scan3A_566:8 = scf.for %scan3A_872 = %scan3A_562 to %scan3A_564 step %scan3A_565 iter_args(%scan3A_873 = %broadcast_in_dim3A_78, %scan3A_874 = %broadcast_in_dim3A_78, %scan3A_875 = %broadcast_in_dim3A_78, %scan3A_876 = %broadcast_in_dim3A_78, %scan3A_877 = %broadcast_in_dim3A_78, %scan3A_878 = %broadcast_in_dim3A_78, %scan3A_879 = %broadcast_in_dim3A_78, %scan3A_880 = %broadcast_in_dim3A_78) -> (vector<16xf32>, vector<16xf32>, vector<16xf32>, vector<16xf32>, vector<16xf32>, vector<16xf32>, vector<16xf32>, vector<16xf32>)  : i32 {
        %mul3A_881 = arith.constant 16 : i32
        %mul3A_882 = arith.muli %scan3A_872, %mul3A_881 : i32
        %get3A_883 = arith.index_cast %mul3A_882 : i32 to index
        %get3A_884 = tpu.vector_load %arg10[%get3A_883] {strides = array<i32>} : memref<2048xf32, #tpu.memory_space<vmem>>, vector<16xf32>,
        %get3A_885 = arith.index_cast %mul3A_882 : i32 to index
        %get3A_886 = tpu.vector_load %arg11[%get3A_885] {strides = array<i32>} : memref<2048xf32, #tpu.memory_space<vmem>>, vector<16xf32>,
        %get3A_887 = arith.index_cast %mul3A_882 : i32 to index
        %get3A_888 = tpu.vector_load %arg12[%get3A_887] {strides = array<i32>} : memref<2048xf32, #tpu.memory_space<vmem>>, vector<16xf32>,
        %get3A_889 = arith.index_cast %mul3A_882 : i32 to index
        %get3A_890 = tpu.vector_load %arg13[%get3A_889] {strides = array<i32>} : memref<2048xf32, #tpu.memory_space<vmem>>, vector<16xf32>,
        %mul3A_891 = arith.mulf %broadcast_in_dim3A_492, %get3A_884 : vector<16xf32>
        %add3A_892 = arith.addf %get3A_890, %mul3A_891 : vector<16xf32>
        %mul3A_893 = arith.mulf %broadcast_in_dim3A_516, %get3A_886 : vector<16xf32>
        %add3A_894 = arith.addf %add3A_892, %mul3A_893 : vector<16xf32>
        %mul3A_895 = arith.mulf %broadcast_in_dim3A_540, %get3A_888 : vector<16xf32>
        %add3A_896 = arith.addf %add3A_894, %mul3A_895 : vector<16xf32>
        %min3A = arith.minimumf %scan3A_873, %add3A_896 : vector<16xf32>
        %mul3A_897 = arith.mulf %broadcast_in_dim3A_495, %get3A_884 : vector<16xf32>
        %add3A_898 = arith.addf %get3A_890, %mul3A_897 : vector<16xf32>
        %mul3A_899 = arith.mulf %broadcast_in_dim3A_519, %get3A_886 : vector<16xf32>
        %add3A_900 = arith.addf %add3A_898, %mul3A_899 : vector<16xf32>
        %mul3A_901 = arith.mulf %broadcast_in_dim3A_543, %get3A_888 : vector<16xf32>
        %add3A_902 = arith.addf %add3A_900, %mul3A_901 : vector<16xf32>
        %min3A_903 = arith.minimumf %scan3A_874, %add3A_902 : vector<16xf32>
        %mul3A_904 = arith.mulf %broadcast_in_dim3A_498, %get3A_884 : vector<16xf32>
        %add3A_905 = arith.addf %get3A_890, %mul3A_904 : vector<16xf32>
        %mul3A_906 = arith.mulf %broadcast_in_dim3A_522, %get3A_886 : vector<16xf32>
        %add3A_907 = arith.addf %add3A_905, %mul3A_906 : vector<16xf32>
        %mul3A_908 = arith.mulf %broadcast_in_dim3A_546, %get3A_888 : vector<16xf32>
        %add3A_909 = arith.addf %add3A_907, %mul3A_908 : vector<16xf32>
        %min3A_910 = arith.minimumf %scan3A_875, %add3A_909 : vector<16xf32>
        %mul3A_911 = arith.mulf %broadcast_in_dim3A_501, %get3A_884 : vector<16xf32>
        %add3A_912 = arith.addf %get3A_890, %mul3A_911 : vector<16xf32>
        %mul3A_913 = arith.mulf %broadcast_in_dim3A_525, %get3A_886 : vector<16xf32>
        %add3A_914 = arith.addf %add3A_912, %mul3A_913 : vector<16xf32>
        %mul3A_915 = arith.mulf %broadcast_in_dim3A_549, %get3A_888 : vector<16xf32>
        %add3A_916 = arith.addf %add3A_914, %mul3A_915 : vector<16xf32>
        %min3A_917 = arith.minimumf %scan3A_876, %add3A_916 : vector<16xf32>
        %mul3A_918 = arith.mulf %broadcast_in_dim3A_504, %get3A_884 : vector<16xf32>
        %add3A_919 = arith.addf %get3A_890, %mul3A_918 : vector<16xf32>
        %mul3A_920 = arith.mulf %broadcast_in_dim3A_528, %get3A_886 : vector<16xf32>
        %add3A_921 = arith.addf %add3A_919, %mul3A_920 : vector<16xf32>
        %mul3A_922 = arith.mulf %broadcast_in_dim3A_552, %get3A_888 : vector<16xf32>
        %add3A_923 = arith.addf %add3A_921, %mul3A_922 : vector<16xf32>
        %min3A_924 = arith.minimumf %scan3A_877, %add3A_923 : vector<16xf32>
        %mul3A_925 = arith.mulf %broadcast_in_dim3A_507, %get3A_884 : vector<16xf32>
        %add3A_926 = arith.addf %get3A_890, %mul3A_925 : vector<16xf32>
        %mul3A_927 = arith.mulf %broadcast_in_dim3A_531, %get3A_886 : vector<16xf32>
        %add3A_928 = arith.addf %add3A_926, %mul3A_927 : vector<16xf32>
        %mul3A_929 = arith.mulf %broadcast_in_dim3A_555, %get3A_888 : vector<16xf32>
        %add3A_930 = arith.addf %add3A_928, %mul3A_929 : vector<16xf32>
        %min3A_931 = arith.minimumf %scan3A_878, %add3A_930 : vector<16xf32>
        %mul3A_932 = arith.mulf %broadcast_in_dim3A_510, %get3A_884 : vector<16xf32>
        %add3A_933 = arith.addf %get3A_890, %mul3A_932 : vector<16xf32>
        %mul3A_934 = arith.mulf %broadcast_in_dim3A_534, %get3A_886 : vector<16xf32>
        %add3A_935 = arith.addf %add3A_933, %mul3A_934 : vector<16xf32>
        %mul3A_936 = arith.mulf %broadcast_in_dim3A_558, %get3A_888 : vector<16xf32>
        %add3A_937 = arith.addf %add3A_935, %mul3A_936 : vector<16xf32>
        %min3A_938 = arith.minimumf %scan3A_879, %add3A_937 : vector<16xf32>
        %mul3A_939 = arith.mulf %broadcast_in_dim3A_513, %get3A_884 : vector<16xf32>
        %add3A_940 = arith.addf %get3A_890, %mul3A_939 : vector<16xf32>
        %mul3A_941 = arith.mulf %broadcast_in_dim3A_537, %get3A_886 : vector<16xf32>
        %add3A_942 = arith.addf %add3A_940, %mul3A_941 : vector<16xf32>
        %mul3A_943 = arith.mulf %broadcast_in_dim3A_561, %get3A_888 : vector<16xf32>
        %add3A_944 = arith.addf %add3A_942, %mul3A_943 : vector<16xf32>
        %min3A_945 = arith.minimumf %scan3A_880, %add3A_944 : vector<16xf32>
        scf.yield %min3A, %min3A_903, %min3A_910, %min3A_917, %min3A_924, %min3A_931, %min3A_938, %min3A_945 : vector<16xf32>, vector<16xf32>, vector<16xf32>, vector<16xf32>, vector<16xf32>, vector<16xf32>, vector<16xf32>, vector<16xf32>
      }
      %scan3A_567 = arith.constant 128 : i32
      %reduce_min3A_568 = arith.constant true
      %reduce_min3A_569 = vector.broadcast %reduce_min3A_568 : i1 to vector<16xi1>
      %reduce_min3A_570 = tpu.scan <min>, %scan3A_566#0 masked %reduce_min3A_569 : vector<16xf32>, vector<16xi1> -> vector<16xf32>
      %reduce_min3A_571 = vector.extract %reduce_min3A_570[15] : f32 from vector<16xf32>
      %slice3A_572 = vector.extract_strided_slice %get3A_112 {offsets = [8], sizes = [1], strides = [1]} : vector<16xf32> to vector<1xf32>
      %squeeze3A_573 = vector.extract %slice3A_572[0] : f32 from vector<1xf32>
      %add3A_574 = arith.addf %reduce_min3A_571, %squeeze3A_573 : f32
      %max3A_575 = arith.constant 0.000000e+00 : f32
      %max3A_576 = arith.maximumf %add3A_574, %max3A_575 : f32
      %bitcast_convert_type3A_577 = arith.bitcast %max3A_576 : f32 to i32
      %shift_right_arithmetic3A_578 = arith.constant 1 : i32
      %shift_right_arithmetic3A_579 = arith.shrsi %bitcast_convert_type3A_577, %shift_right_arithmetic3A_578 : i32
      %sub3A_580 = arith.constant 1597463007 : i32
      %sub3A_581 = arith.subi %sub3A_580, %shift_right_arithmetic3A_579 : i32
      %bitcast_convert_type3A_582 = arith.bitcast %sub3A_581 : i32 to f32
      %mul3A_583 = arith.constant 5.000000e-01 : f32
      %mul3A_584 = arith.mulf %mul3A_583, %max3A_576 : f32
      %mul3A_585 = arith.mulf %mul3A_584, %bitcast_convert_type3A_582 : f32
      %mul3A_586 = arith.mulf %mul3A_585, %bitcast_convert_type3A_582 : f32
      %sub3A_587 = arith.constant 1.500000e+00 : f32
      %sub3A_588 = arith.subf %sub3A_587, %mul3A_586 : f32
      %mul3A_589 = arith.mulf %bitcast_convert_type3A_582, %sub3A_588 : f32
      %mul3A_590 = arith.constant 5.000000e-01 : f32
      %mul3A_591 = arith.mulf %mul3A_590, %max3A_576 : f32
      %mul3A_592 = arith.mulf %mul3A_591, %mul3A_589 : f32
      %mul3A_593 = arith.mulf %mul3A_592, %mul3A_589 : f32
      %sub3A_594 = arith.constant 1.500000e+00 : f32
      %sub3A_595 = arith.subf %sub3A_594, %mul3A_593 : f32
      %mul3A_596 = arith.mulf %mul3A_589, %sub3A_595 : f32
      %mul3A_597 = arith.constant 5.000000e-01 : f32
      %mul3A_598 = arith.mulf %mul3A_597, %max3A_576 : f32
      %mul3A_599 = arith.mulf %mul3A_598, %mul3A_596 : f32
      %mul3A_600 = arith.mulf %mul3A_599, %mul3A_596 : f32
      %sub3A_601 = arith.constant 1.500000e+00 : f32
      %sub3A_602 = arith.subf %sub3A_601, %mul3A_600 : f32
      %mul3A_603 = arith.mulf %mul3A_596, %sub3A_602 : f32
      %mul3A_604 = arith.mulf %max3A_576, %mul3A_603 : f32
      %add3A_605 = arith.addf %add3A_489, %mul3A_604 : f32
      %reduce_min3A_606 = arith.constant true
      %reduce_min3A_607 = vector.broadcast %reduce_min3A_606 : i1 to vector<16xi1>
      %reduce_min3A_608 = tpu.scan <min>, %scan3A_566#1 masked %reduce_min3A_607 : vector<16xf32>, vector<16xi1> -> vector<16xf32>
      %reduce_min3A_609 = vector.extract %reduce_min3A_608[15] : f32 from vector<16xf32>
      %slice3A_610 = vector.extract_strided_slice %get3A_112 {offsets = [9], sizes = [1], strides = [1]} : vector<16xf32> to vector<1xf32>
      %squeeze3A_611 = vector.extract %slice3A_610[0] : f32 from vector<1xf32>
      %add3A_612 = arith.addf %reduce_min3A_609, %squeeze3A_611 : f32
      %max3A_613 = arith.constant 0.000000e+00 : f32
      %max3A_614 = arith.maximumf %add3A_612, %max3A_613 : f32
      %bitcast_convert_type3A_615 = arith.bitcast %max3A_614 : f32 to i32
      %shift_right_arithmetic3A_616 = arith.constant 1 : i32
      %shift_right_arithmetic3A_617 = arith.shrsi %bitcast_convert_type3A_615, %shift_right_arithmetic3A_616 : i32
      %sub3A_618 = arith.constant 1597463007 : i32
      %sub3A_619 = arith.subi %sub3A_618, %shift_right_arithmetic3A_617 : i32
      %bitcast_convert_type3A_620 = arith.bitcast %sub3A_619 : i32 to f32
      %mul3A_621 = arith.constant 5.000000e-01 : f32
      %mul3A_622 = arith.mulf %mul3A_621, %max3A_614 : f32
      %mul3A_623 = arith.mulf %mul3A_622, %bitcast_convert_type3A_620 : f32
      %mul3A_624 = arith.mulf %mul3A_623, %bitcast_convert_type3A_620 : f32
      %sub3A_625 = arith.constant 1.500000e+00 : f32
      %sub3A_626 = arith.subf %sub3A_625, %mul3A_624 : f32
      %mul3A_627 = arith.mulf %bitcast_convert_type3A_620, %sub3A_626 : f32
      %mul3A_628 = arith.constant 5.000000e-01 : f32
      %mul3A_629 = arith.mulf %mul3A_628, %max3A_614 : f32
      %mul3A_630 = arith.mulf %mul3A_629, %mul3A_627 : f32
      %mul3A_631 = arith.mulf %mul3A_630, %mul3A_627 : f32
      %sub3A_632 = arith.constant 1.500000e+00 : f32
      %sub3A_633 = arith.subf %sub3A_632, %mul3A_631 : f32
      %mul3A_634 = arith.mulf %mul3A_627, %sub3A_633 : f32
      %mul3A_635 = arith.constant 5.000000e-01 : f32
      %mul3A_636 = arith.mulf %mul3A_635, %max3A_614 : f32
      %mul3A_637 = arith.mulf %mul3A_636, %mul3A_634 : f32
      %mul3A_638 = arith.mulf %mul3A_637, %mul3A_634 : f32
      %sub3A_639 = arith.constant 1.500000e+00 : f32
      %sub3A_640 = arith.subf %sub3A_639, %mul3A_638 : f32
      %mul3A_641 = arith.mulf %mul3A_634, %sub3A_640 : f32
      %mul3A_642 = arith.mulf %max3A_614, %mul3A_641 : f32
      %add3A_643 = arith.addf %add3A_605, %mul3A_642 : f32
      %reduce_min3A_644 = arith.constant true
      %reduce_min3A_645 = vector.broadcast %reduce_min3A_644 : i1 to vector<16xi1>
      %reduce_min3A_646 = tpu.scan <min>, %scan3A_566#2 masked %reduce_min3A_645 : vector<16xf32>, vector<16xi1> -> vector<16xf32>
      %reduce_min3A_647 = vector.extract %reduce_min3A_646[15] : f32 from vector<16xf32>
      %slice3A_648 = vector.extract_strided_slice %get3A_112 {offsets = [10], sizes = [1], strides = [1]} : vector<16xf32> to vector<1xf32>
      %squeeze3A_649 = vector.extract %slice3A_648[0] : f32 from vector<1xf32>
      %add3A_650 = arith.addf %reduce_min3A_647, %squeeze3A_649 : f32
      %max3A_651 = arith.constant 0.000000e+00 : f32
      %max3A_652 = arith.maximumf %add3A_650, %max3A_651 : f32
      %bitcast_convert_type3A_653 = arith.bitcast %max3A_652 : f32 to i32
      %shift_right_arithmetic3A_654 = arith.constant 1 : i32
      %shift_right_arithmetic3A_655 = arith.shrsi %bitcast_convert_type3A_653, %shift_right_arithmetic3A_654 : i32
      %sub3A_656 = arith.constant 1597463007 : i32
      %sub3A_657 = arith.subi %sub3A_656, %shift_right_arithmetic3A_655 : i32
      %bitcast_convert_type3A_658 = arith.bitcast %sub3A_657 : i32 to f32
      %mul3A_659 = arith.constant 5.000000e-01 : f32
      %mul3A_660 = arith.mulf %mul3A_659, %max3A_652 : f32
      %mul3A_661 = arith.mulf %mul3A_660, %bitcast_convert_type3A_658 : f32
      %mul3A_662 = arith.mulf %mul3A_661, %bitcast_convert_type3A_658 : f32
      %sub3A_663 = arith.constant 1.500000e+00 : f32
      %sub3A_664 = arith.subf %sub3A_663, %mul3A_662 : f32
      %mul3A_665 = arith.mulf %bitcast_convert_type3A_658, %sub3A_664 : f32
      %mul3A_666 = arith.constant 5.000000e-01 : f32
      %mul3A_667 = arith.mulf %mul3A_666, %max3A_652 : f32
      %mul3A_668 = arith.mulf %mul3A_667, %mul3A_665 : f32
      %mul3A_669 = arith.mulf %mul3A_668, %mul3A_665 : f32
      %sub3A_670 = arith.constant 1.500000e+00 : f32
      %sub3A_671 = arith.subf %sub3A_670, %mul3A_669 : f32
      %mul3A_672 = arith.mulf %mul3A_665, %sub3A_671 : f32
      %mul3A_673 = arith.constant 5.000000e-01 : f32
      %mul3A_674 = arith.mulf %mul3A_673, %max3A_652 : f32
      %mul3A_675 = arith.mulf %mul3A_674, %mul3A_672 : f32
      %mul3A_676 = arith.mulf %mul3A_675, %mul3A_672 : f32
      %sub3A_677 = arith.constant 1.500000e+00 : f32
      %sub3A_678 = arith.subf %sub3A_677, %mul3A_676 : f32
      %mul3A_679 = arith.mulf %mul3A_672, %sub3A_678 : f32
      %mul3A_680 = arith.mulf %max3A_652, %mul3A_679 : f32
      %add3A_681 = arith.addf %add3A_643, %mul3A_680 : f32
      %reduce_min3A_682 = arith.constant true
      %reduce_min3A_683 = vector.broadcast %reduce_min3A_682 : i1 to vector<16xi1>
      %reduce_min3A_684 = tpu.scan <min>, %scan3A_566#3 masked %reduce_min3A_683 : vector<16xf32>, vector<16xi1> -> vector<16xf32>
      %reduce_min3A_685 = vector.extract %reduce_min3A_684[15] : f32 from vector<16xf32>
      %slice3A_686 = vector.extract_strided_slice %get3A_112 {offsets = [11], sizes = [1], strides = [1]} : vector<16xf32> to vector<1xf32>
      %squeeze3A_687 = vector.extract %slice3A_686[0] : f32 from vector<1xf32>
      %add3A_688 = arith.addf %reduce_min3A_685, %squeeze3A_687 : f32
      %max3A_689 = arith.constant 0.000000e+00 : f32
      %max3A_690 = arith.maximumf %add3A_688, %max3A_689 : f32
      %bitcast_convert_type3A_691 = arith.bitcast %max3A_690 : f32 to i32
      %shift_right_arithmetic3A_692 = arith.constant 1 : i32
      %shift_right_arithmetic3A_693 = arith.shrsi %bitcast_convert_type3A_691, %shift_right_arithmetic3A_692 : i32
      %sub3A_694 = arith.constant 1597463007 : i32
      %sub3A_695 = arith.subi %sub3A_694, %shift_right_arithmetic3A_693 : i32
      %bitcast_convert_type3A_696 = arith.bitcast %sub3A_695 : i32 to f32
      %mul3A_697 = arith.constant 5.000000e-01 : f32
      %mul3A_698 = arith.mulf %mul3A_697, %max3A_690 : f32
      %mul3A_699 = arith.mulf %mul3A_698, %bitcast_convert_type3A_696 : f32
      %mul3A_700 = arith.mulf %mul3A_699, %bitcast_convert_type3A_696 : f32
      %sub3A_701 = arith.constant 1.500000e+00 : f32
      %sub3A_702 = arith.subf %sub3A_701, %mul3A_700 : f32
      %mul3A_703 = arith.mulf %bitcast_convert_type3A_696, %sub3A_702 : f32
      %mul3A_704 = arith.constant 5.000000e-01 : f32
      %mul3A_705 = arith.mulf %mul3A_704, %max3A_690 : f32
      %mul3A_706 = arith.mulf %mul3A_705, %mul3A_703 : f32
      %mul3A_707 = arith.mulf %mul3A_706, %mul3A_703 : f32
      %sub3A_708 = arith.constant 1.500000e+00 : f32
      %sub3A_709 = arith.subf %sub3A_708, %mul3A_707 : f32
      %mul3A_710 = arith.mulf %mul3A_703, %sub3A_709 : f32
      %mul3A_711 = arith.constant 5.000000e-01 : f32
      %mul3A_712 = arith.mulf %mul3A_711, %max3A_690 : f32
      %mul3A_713 = arith.mulf %mul3A_712, %mul3A_710 : f32
      %mul3A_714 = arith.mulf %mul3A_713, %mul3A_710 : f32
      %sub3A_715 = arith.constant 1.500000e+00 : f32
      %sub3A_716 = arith.subf %sub3A_715, %mul3A_714 : f32
      %mul3A_717 = arith.mulf %mul3A_710, %sub3A_716 : f32
      %mul3A_718 = arith.mulf %max3A_690, %mul3A_717 : f32
      %add3A_719 = arith.addf %add3A_681, %mul3A_718 : f32
      %reduce_min3A_720 = arith.constant true
      %reduce_min3A_721 = vector.broadcast %reduce_min3A_720 : i1 to vector<16xi1>
      %reduce_min3A_722 = tpu.scan <min>, %scan3A_566#4 masked %reduce_min3A_721 : vector<16xf32>, vector<16xi1> -> vector<16xf32>
      %reduce_min3A_723 = vector.extract %reduce_min3A_722[15] : f32 from vector<16xf32>
      %slice3A_724 = vector.extract_strided_slice %get3A_112 {offsets = [12], sizes = [1], strides = [1]} : vector<16xf32> to vector<1xf32>
      %squeeze3A_725 = vector.extract %slice3A_724[0] : f32 from vector<1xf32>
      %add3A_726 = arith.addf %reduce_min3A_723, %squeeze3A_725 : f32
      %max3A_727 = arith.constant 0.000000e+00 : f32
      %max3A_728 = arith.maximumf %add3A_726, %max3A_727 : f32
      %bitcast_convert_type3A_729 = arith.bitcast %max3A_728 : f32 to i32
      %shift_right_arithmetic3A_730 = arith.constant 1 : i32
      %shift_right_arithmetic3A_731 = arith.shrsi %bitcast_convert_type3A_729, %shift_right_arithmetic3A_730 : i32
      %sub3A_732 = arith.constant 1597463007 : i32
      %sub3A_733 = arith.subi %sub3A_732, %shift_right_arithmetic3A_731 : i32
      %bitcast_convert_type3A_734 = arith.bitcast %sub3A_733 : i32 to f32
      %mul3A_735 = arith.constant 5.000000e-01 : f32
      %mul3A_736 = arith.mulf %mul3A_735, %max3A_728 : f32
      %mul3A_737 = arith.mulf %mul3A_736, %bitcast_convert_type3A_734 : f32
      %mul3A_738 = arith.mulf %mul3A_737, %bitcast_convert_type3A_734 : f32
      %sub3A_739 = arith.constant 1.500000e+00 : f32
      %sub3A_740 = arith.subf %sub3A_739, %mul3A_738 : f32
      %mul3A_741 = arith.mulf %bitcast_convert_type3A_734, %sub3A_740 : f32
      %mul3A_742 = arith.constant 5.000000e-01 : f32
      %mul3A_743 = arith.mulf %mul3A_742, %max3A_728 : f32
      %mul3A_744 = arith.mulf %mul3A_743, %mul3A_741 : f32
      %mul3A_745 = arith.mulf %mul3A_744, %mul3A_741 : f32
      %sub3A_746 = arith.constant 1.500000e+00 : f32
      %sub3A_747 = arith.subf %sub3A_746, %mul3A_745 : f32
      %mul3A_748 = arith.mulf %mul3A_741, %sub3A_747 : f32
      %mul3A_749 = arith.constant 5.000000e-01 : f32
      %mul3A_750 = arith.mulf %mul3A_749, %max3A_728 : f32
      %mul3A_751 = arith.mulf %mul3A_750, %mul3A_748 : f32
      %mul3A_752 = arith.mulf %mul3A_751, %mul3A_748 : f32
      %sub3A_753 = arith.constant 1.500000e+00 : f32
      %sub3A_754 = arith.subf %sub3A_753, %mul3A_752 : f32
      %mul3A_755 = arith.mulf %mul3A_748, %sub3A_754 : f32
      %mul3A_756 = arith.mulf %max3A_728, %mul3A_755 : f32
      %add3A_757 = arith.addf %add3A_719, %mul3A_756 : f32
      %reduce_min3A_758 = arith.constant true
      %reduce_min3A_759 = vector.broadcast %reduce_min3A_758 : i1 to vector<16xi1>
      %reduce_min3A_760 = tpu.scan <min>, %scan3A_566#5 masked %reduce_min3A_759 : vector<16xf32>, vector<16xi1> -> vector<16xf32>
      %reduce_min3A_761 = vector.extract %reduce_min3A_760[15] : f32 from vector<16xf32>
      %slice3A_762 = vector.extract_strided_slice %get3A_112 {offsets = [13], sizes = [1], strides = [1]} : vector<16xf32> to vector<1xf32>
      %squeeze3A_763 = vector.extract %slice3A_762[0] : f32 from vector<1xf32>
      %add3A_764 = arith.addf %reduce_min3A_761, %squeeze3A_763 : f32
      %max3A_765 = arith.constant 0.000000e+00 : f32
      %max3A_766 = arith.maximumf %add3A_764, %max3A_765 : f32
      %bitcast_convert_type3A_767 = arith.bitcast %max3A_766 : f32 to i32
      %shift_right_arithmetic3A_768 = arith.constant 1 : i32
      %shift_right_arithmetic3A_769 = arith.shrsi %bitcast_convert_type3A_767, %shift_right_arithmetic3A_768 : i32
      %sub3A_770 = arith.constant 1597463007 : i32
      %sub3A_771 = arith.subi %sub3A_770, %shift_right_arithmetic3A_769 : i32
      %bitcast_convert_type3A_772 = arith.bitcast %sub3A_771 : i32 to f32
      %mul3A_773 = arith.constant 5.000000e-01 : f32
      %mul3A_774 = arith.mulf %mul3A_773, %max3A_766 : f32
      %mul3A_775 = arith.mulf %mul3A_774, %bitcast_convert_type3A_772 : f32
      %mul3A_776 = arith.mulf %mul3A_775, %bitcast_convert_type3A_772 : f32
      %sub3A_777 = arith.constant 1.500000e+00 : f32
      %sub3A_778 = arith.subf %sub3A_777, %mul3A_776 : f32
      %mul3A_779 = arith.mulf %bitcast_convert_type3A_772, %sub3A_778 : f32
      %mul3A_780 = arith.constant 5.000000e-01 : f32
      %mul3A_781 = arith.mulf %mul3A_780, %max3A_766 : f32
      %mul3A_782 = arith.mulf %mul3A_781, %mul3A_779 : f32
      %mul3A_783 = arith.mulf %mul3A_782, %mul3A_779 : f32
      %sub3A_784 = arith.constant 1.500000e+00 : f32
      %sub3A_785 = arith.subf %sub3A_784, %mul3A_783 : f32
      %mul3A_786 = arith.mulf %mul3A_779, %sub3A_785 : f32
      %mul3A_787 = arith.constant 5.000000e-01 : f32
      %mul3A_788 = arith.mulf %mul3A_787, %max3A_766 : f32
      %mul3A_789 = arith.mulf %mul3A_788, %mul3A_786 : f32
      %mul3A_790 = arith.mulf %mul3A_789, %mul3A_786 : f32
      %sub3A_791 = arith.constant 1.500000e+00 : f32
      %sub3A_792 = arith.subf %sub3A_791, %mul3A_790 : f32
      %mul3A_793 = arith.mulf %mul3A_786, %sub3A_792 : f32
      %mul3A_794 = arith.mulf %max3A_766, %mul3A_793 : f32
      %add3A_795 = arith.addf %add3A_757, %mul3A_794 : f32
      %reduce_min3A_796 = arith.constant true
      %reduce_min3A_797 = vector.broadcast %reduce_min3A_796 : i1 to vector<16xi1>
      %reduce_min3A_798 = tpu.scan <min>, %scan3A_566#6 masked %reduce_min3A_797 : vector<16xf32>, vector<16xi1> -> vector<16xf32>
      %reduce_min3A_799 = vector.extract %reduce_min3A_798[15] : f32 from vector<16xf32>
      %slice3A_800 = vector.extract_strided_slice %get3A_112 {offsets = [14], sizes = [1], strides = [1]} : vector<16xf32> to vector<1xf32>
      %squeeze3A_801 = vector.extract %slice3A_800[0] : f32 from vector<1xf32>
      %add3A_802 = arith.addf %reduce_min3A_799, %squeeze3A_801 : f32
      %max3A_803 = arith.constant 0.000000e+00 : f32
      %max3A_804 = arith.maximumf %add3A_802, %max3A_803 : f32
      %bitcast_convert_type3A_805 = arith.bitcast %max3A_804 : f32 to i32
      %shift_right_arithmetic3A_806 = arith.constant 1 : i32
      %shift_right_arithmetic3A_807 = arith.shrsi %bitcast_convert_type3A_805, %shift_right_arithmetic3A_806 : i32
      %sub3A_808 = arith.constant 1597463007 : i32
      %sub3A_809 = arith.subi %sub3A_808, %shift_right_arithmetic3A_807 : i32
      %bitcast_convert_type3A_810 = arith.bitcast %sub3A_809 : i32 to f32
      %mul3A_811 = arith.constant 5.000000e-01 : f32
      %mul3A_812 = arith.mulf %mul3A_811, %max3A_804 : f32
      %mul3A_813 = arith.mulf %mul3A_812, %bitcast_convert_type3A_810 : f32
      %mul3A_814 = arith.mulf %mul3A_813, %bitcast_convert_type3A_810 : f32
      %sub3A_815 = arith.constant 1.500000e+00 : f32
      %sub3A_816 = arith.subf %sub3A_815, %mul3A_814 : f32
      %mul3A_817 = arith.mulf %bitcast_convert_type3A_810, %sub3A_816 : f32
      %mul3A_818 = arith.constant 5.000000e-01 : f32
      %mul3A_819 = arith.mulf %mul3A_818, %max3A_804 : f32
      %mul3A_820 = arith.mulf %mul3A_819, %mul3A_817 : f32
      %mul3A_821 = arith.mulf %mul3A_820, %mul3A_817 : f32
      %sub3A_822 = arith.constant 1.500000e+00 : f32
      %sub3A_823 = arith.subf %sub3A_822, %mul3A_821 : f32
      %mul3A_824 = arith.mulf %mul3A_817, %sub3A_823 : f32
      %mul3A_825 = arith.constant 5.000000e-01 : f32
      %mul3A_826 = arith.mulf %mul3A_825, %max3A_804 : f32
      %mul3A_827 = arith.mulf %mul3A_826, %mul3A_824 : f32
      %mul3A_828 = arith.mulf %mul3A_827, %mul3A_824 : f32
      %sub3A_829 = arith.constant 1.500000e+00 : f32
      %sub3A_830 = arith.subf %sub3A_829, %mul3A_828 : f32
      %mul3A_831 = arith.mulf %mul3A_824, %sub3A_830 : f32
      %mul3A_832 = arith.mulf %max3A_804, %mul3A_831 : f32
      %add3A_833 = arith.addf %add3A_795, %mul3A_832 : f32
      %reduce_min3A_834 = arith.constant true
      %reduce_min3A_835 = vector.broadcast %reduce_min3A_834 : i1 to vector<16xi1>
      %reduce_min3A_836 = tpu.scan <min>, %scan3A_566#7 masked %reduce_min3A_835 : vector<16xf32>, vector<16xi1> -> vector<16xf32>
      %reduce_min3A_837 = vector.extract %reduce_min3A_836[15] : f32 from vector<16xf32>
      %slice3A_838 = vector.extract_strided_slice %get3A_112 {offsets = [15], sizes = [1], strides = [1]} : vector<16xf32> to vector<1xf32>
      %squeeze3A_839 = vector.extract %slice3A_838[0] : f32 from vector<1xf32>
      %add3A_840 = arith.addf %reduce_min3A_837, %squeeze3A_839 : f32
      %max3A_841 = arith.constant 0.000000e+00 : f32
      %max3A_842 = arith.maximumf %add3A_840, %max3A_841 : f32
      %bitcast_convert_type3A_843 = arith.bitcast %max3A_842 : f32 to i32
      %shift_right_arithmetic3A_844 = arith.constant 1 : i32
      %shift_right_arithmetic3A_845 = arith.shrsi %bitcast_convert_type3A_843, %shift_right_arithmetic3A_844 : i32
      %sub3A_846 = arith.constant 1597463007 : i32
      %sub3A_847 = arith.subi %sub3A_846, %shift_right_arithmetic3A_845 : i32
      %bitcast_convert_type3A_848 = arith.bitcast %sub3A_847 : i32 to f32
      %mul3A_849 = arith.constant 5.000000e-01 : f32
      %mul3A_850 = arith.mulf %mul3A_849, %max3A_842 : f32
      %mul3A_851 = arith.mulf %mul3A_850, %bitcast_convert_type3A_848 : f32
      %mul3A_852 = arith.mulf %mul3A_851, %bitcast_convert_type3A_848 : f32
      %sub3A_853 = arith.constant 1.500000e+00 : f32
      %sub3A_854 = arith.subf %sub3A_853, %mul3A_852 : f32
      %mul3A_855 = arith.mulf %bitcast_convert_type3A_848, %sub3A_854 : f32
      %mul3A_856 = arith.constant 5.000000e-01 : f32
      %mul3A_857 = arith.mulf %mul3A_856, %max3A_842 : f32
      %mul3A_858 = arith.mulf %mul3A_857, %mul3A_855 : f32
      %mul3A_859 = arith.mulf %mul3A_858, %mul3A_855 : f32
      %sub3A_860 = arith.constant 1.500000e+00 : f32
      %sub3A_861 = arith.subf %sub3A_860, %mul3A_859 : f32
      %mul3A_862 = arith.mulf %mul3A_855, %sub3A_861 : f32
      %mul3A_863 = arith.constant 5.000000e-01 : f32
      %mul3A_864 = arith.mulf %mul3A_863, %max3A_842 : f32
      %mul3A_865 = arith.mulf %mul3A_864, %mul3A_862 : f32
      %mul3A_866 = arith.mulf %mul3A_865, %mul3A_862 : f32
      %sub3A_867 = arith.constant 1.500000e+00 : f32
      %sub3A_868 = arith.subf %sub3A_867, %mul3A_866 : f32
      %mul3A_869 = arith.mulf %mul3A_862, %sub3A_868 : f32
      %mul3A_870 = arith.mulf %max3A_842, %mul3A_869 : f32
      %add3A_871 = arith.addf %add3A_833, %mul3A_870 : f32
      scf.yield %add3A_871 : f32
    }
    %scan3A_85 = arith.constant 64 : i32
    %iota3A = tpu.iota {dimensions = array<i32: 0>} : vector<16xi32>
    %eq3A = arith.constant 0 : i32
    %eq3A_86 = vector.broadcast %eq3A : i32 to vector<16xi32>
    %eq3A_87 = arith.cmpi eq, %iota3A, %eq3A_86 : vector<16xi32>
    %broadcast_in_dim3A_88 = vector.broadcast %scan3A_84 : f32 to vector<16xf32>
    %eq3A_89 = arith.constant 1 : i32
    %eq3A_90 = vector.broadcast %eq3A_89 : i32 to vector<16xi32>
    %eq3A_91 = arith.cmpi eq, %iota3A, %eq3A_90 : vector<16xi32>
    %broadcast_in_dim3A_92 = vector.broadcast %reduce_sum3A_76 : f32 to vector<16xf32>
    %broadcast_in_dim3A_93 = arith.constant 0.000000e+00 : f32
    %broadcast_in_dim3A_94 = vector.broadcast %broadcast_in_dim3A_93 : f32 to vector<16xf32>
    %select_n3A = arith.select %eq3A_91, %broadcast_in_dim3A_92, %broadcast_in_dim3A_94 : vector<16xi1>, vector<16xf32>
    %select_n3A_95 = arith.select %eq3A_87, %broadcast_in_dim3A_88, %select_n3A : vector<16xi1>, vector<16xf32>
    %swap3A = arith.constant 0 : index
    %swap3A_96 = tpu.vector_load %arg19[%swap3A] {strides = array<i32>} : memref<16xf32, #tpu.memory_space<vmem>>, vector<16xf32>,
    tpu.vector_store %arg19[%swap3A], %select_n3A_95 {strides = array<i32>} : memref<16xf32, #tpu.memory_space<vmem>>, vector<16xf32>,
    %mul3A_97 = arith.constant 16 : i32
    %mul3A_98 = arith.muli %arg0, %mul3A_97 : i32
    %add3A = arith.addi %mul3A_98, %arg1 : i32
    %mul3A_99 = arith.constant 128 : i32
    %mul3A_100 = arith.muli %add3A, %mul3A_99 : i32
    "tpu.region"() ({
      %run_scoped3A = tpu.sem_alloc : memref<!tpu.dma_semaphore, #tpu.memory_space<semaphore_mem>>
      %dma_start3A = tpu.memref_slice %arg6[%mul3A_100] : memref<4096xf32, #tpu.memory_space<hbm>> -> memref<16xf32, #tpu.memory_space<hbm>>
      %dma_start3A_101 = tpu.memref_slice %arg6[%mul3A_100] : memref<4096xf32, #tpu.memory_space<hbm>> -> memref<16xf32, #tpu.memory_space<hbm>>
      tpu.enqueue_dma source(%arg19 : memref<16xf32, #tpu.memory_space<vmem>>) target(%dma_start3A_101 : memref<16xf32, #tpu.memory_space<hbm>>) target_semaphore(%run_scoped3A : memref<!tpu.dma_semaphore, #tpu.memory_space<semaphore_mem>>)
      %dma_wait3A = tpu.memref_slice %arg6[%mul3A_100] : memref<4096xf32, #tpu.memory_space<hbm>> -> memref<16xf32, #tpu.memory_space<hbm>>
      %dma_wait3A_102 = tpu.memref_slice %arg6[%mul3A_100] : memref<4096xf32, #tpu.memory_space<hbm>> -> memref<16xf32, #tpu.memory_space<hbm>>
      tpu.wait_dma2 semaphore(%run_scoped3A : memref<!tpu.dma_semaphore, #tpu.memory_space<semaphore_mem>>) src(%arg19 : memref<16xf32, #tpu.memory_space<vmem>>) dst(%dma_wait3A_102 : memref<16xf32, #tpu.memory_space<hbm>>)
      tpu.yield
    }) : () -> ()
    return
  }
}

module attributes {stable_mosaic.version = 14 : i64} {
  func.func @_finalize_body(%arg0: memref<2x16x128xf32, #tpu.memory_space<vmem>>, %arg1: memref<16x1xi32, #tpu.memory_space<vmem>>, %arg2: memref<1x1xf32, #tpu.memory_space<vmem>>) attributes {dimension_semantics = [], scalar_prefetch = 0 : i64, scratch_operands = 0 : i64, tpu.core_type = #tpu.core_type<tc>} {
    %get3A = arith.constant 0 : index
    %get3A_0 = arith.constant 0 : index
    %get3A_1 = arith.constant 0 : index
    %get3A_2 = vector.load %arg0[%get3A, %get3A_0, %get3A_1] : memref<2x16x128xf32, #tpu.memory_space<vmem>>, vector<1x16x128xf32>
    %get3A_3 = vector.shape_cast %get3A_2 : vector<1x16x128xf32> to vector<16x128xf32>
    %get3A_4 = arith.constant 1 : index
    %get3A_5 = arith.constant 0 : index
    %get3A_6 = arith.constant 0 : index
    %get3A_7 = vector.load %arg0[%get3A_4, %get3A_5, %get3A_6] : memref<2x16x128xf32, #tpu.memory_space<vmem>>, vector<1x16x128xf32>
    %get3A_8 = vector.shape_cast %get3A_7 : vector<1x16x128xf32> to vector<16x128xf32>
    %add3A = arith.addf %get3A_3, %get3A_8 : vector<16x128xf32>
    %slice3A = vector.extract_strided_slice %add3A {offsets = [0, 0], sizes = [16, 1], strides = [1, 1]} : vector<16x128xf32> to vector<16x1xf32>
    %mul3A = arith.constant 4.8828125E-4 : f32
    %mul3A_9 = vector.broadcast %mul3A : f32 to vector<16x1xf32>
    %mul3A_10 = arith.mulf %slice3A, %mul3A_9 : vector<16x1xf32>
    %slice3A_11 = vector.extract_strided_slice %add3A {offsets = [0, 1], sizes = [16, 1], strides = [1, 1]} : vector<16x128xf32> to vector<16x1xf32>
    %mul3A_12 = arith.constant 4.8828125E-4 : f32
    %mul3A_13 = vector.broadcast %mul3A_12 : f32 to vector<16x1xf32>
    %mul3A_14 = arith.mulf %slice3A_11, %mul3A_13 : vector<16x1xf32>
    %get3A_15 = arith.constant 0 : index
    %get3A_16 = arith.constant 0 : index
    %get3A_17 = vector.load %arg1[%get3A_15, %get3A_16] : memref<16x1xi32, #tpu.memory_space<vmem>>, vector<16x1xi32>
    %lt3A = arith.constant 4 : i32
    %lt3A_18 = vector.broadcast %lt3A : i32 to vector<16x1xi32>
    %lt3A_19 = arith.cmpi slt, %get3A_17, %lt3A_18 : vector<16x1xi32>
    %select_n3A = arith.select %lt3A_19, %mul3A_10, %mul3A_14 : vector<16x1xi1>, vector<16x1xf32>
    %broadcast_in_dim3A = arith.constant 0.000000e+00 : f32
    %broadcast_in_dim3A_20 = vector.broadcast %broadcast_in_dim3A : f32 to vector<16x1xf32>
    %eq3A = arith.constant 0 : i32
    %eq3A_21 = vector.broadcast %eq3A : i32 to vector<16x1xi32>
    %eq3A_22 = arith.cmpi eq, %get3A_17, %eq3A_21 : vector<16x1xi32>
    %jit3A = arith.constant 0.899999976 : f32
    %broadcast_in_dim3A_23 = vector.broadcast %jit3A : f32 to vector<16x1xf32>
    %select_n3A_24 = arith.select %eq3A_22, %broadcast_in_dim3A_23, %broadcast_in_dim3A_20 : vector<16x1xi1>, vector<16x1xf32>
    %eq3A_25 = arith.constant 1 : i32
    %eq3A_26 = vector.broadcast %eq3A_25 : i32 to vector<16x1xi32>
    %eq3A_27 = arith.cmpi eq, %get3A_17, %eq3A_26 : vector<16x1xi32>
    %jit3A_28 = arith.constant 1.100000e+00 : f32
    %broadcast_in_dim3A_29 = vector.broadcast %jit3A_28 : f32 to vector<16x1xf32>
    %select_n3A_30 = arith.select %eq3A_27, %broadcast_in_dim3A_29, %select_n3A_24 : vector<16x1xi1>, vector<16x1xf32>
    %eq3A_31 = arith.constant 2 : i32
    %eq3A_32 = vector.broadcast %eq3A_31 : i32 to vector<16x1xi32>
    %eq3A_33 = arith.cmpi eq, %get3A_17, %eq3A_32 : vector<16x1xi32>
    %jit3A_34 = arith.constant 1.000000e+00 : f32
    %broadcast_in_dim3A_35 = vector.broadcast %jit3A_34 : f32 to vector<16x1xf32>
    %select_n3A_36 = arith.select %eq3A_33, %broadcast_in_dim3A_35, %select_n3A_30 : vector<16x1xi1>, vector<16x1xf32>
    %eq3A_37 = arith.constant 3 : i32
    %eq3A_38 = vector.broadcast %eq3A_37 : i32 to vector<16x1xi32>
    %eq3A_39 = arith.cmpi eq, %get3A_17, %eq3A_38 : vector<16x1xi32>
    %jit3A_40 = arith.constant 0.949999988 : f32
    %broadcast_in_dim3A_41 = vector.broadcast %jit3A_40 : f32 to vector<16x1xf32>
    %select_n3A_42 = arith.select %eq3A_39, %broadcast_in_dim3A_41, %select_n3A_36 : vector<16x1xi1>, vector<16x1xf32>
    %eq3A_43 = arith.constant 4 : i32
    %eq3A_44 = vector.broadcast %eq3A_43 : i32 to vector<16x1xi32>
    %eq3A_45 = arith.cmpi eq, %get3A_17, %eq3A_44 : vector<16x1xi32>
    %jit3A_46 = arith.constant 1.050000e+00 : f32
    %broadcast_in_dim3A_47 = vector.broadcast %jit3A_46 : f32 to vector<16x1xf32>
    %select_n3A_48 = arith.select %eq3A_45, %broadcast_in_dim3A_47, %select_n3A_42 : vector<16x1xi1>, vector<16x1xf32>
    %eq3A_49 = arith.constant 5 : i32
    %eq3A_50 = vector.broadcast %eq3A_49 : i32 to vector<16x1xi32>
    %eq3A_51 = arith.cmpi eq, %get3A_17, %eq3A_50 : vector<16x1xi32>
    %jit3A_52 = arith.constant 1.200000e+00 : f32
    %broadcast_in_dim3A_53 = vector.broadcast %jit3A_52 : f32 to vector<16x1xf32>
    %select_n3A_54 = arith.select %eq3A_51, %broadcast_in_dim3A_53, %select_n3A_48 : vector<16x1xi1>, vector<16x1xf32>
    %eq3A_55 = arith.constant 6 : i32
    %eq3A_56 = vector.broadcast %eq3A_55 : i32 to vector<16x1xi32>
    %eq3A_57 = arith.cmpi eq, %get3A_17, %eq3A_56 : vector<16x1xi32>
    %jit3A_58 = arith.constant 8.500000e-01 : f32
    %broadcast_in_dim3A_59 = vector.broadcast %jit3A_58 : f32 to vector<16x1xf32>
    %select_n3A_60 = arith.select %eq3A_57, %broadcast_in_dim3A_59, %select_n3A_54 : vector<16x1xi1>, vector<16x1xf32>
    %eq3A_61 = arith.constant 7 : i32
    %eq3A_62 = vector.broadcast %eq3A_61 : i32 to vector<16x1xi32>
    %eq3A_63 = arith.cmpi eq, %get3A_17, %eq3A_62 : vector<16x1xi32>
    %jit3A_64 = arith.constant 1.000000e+00 : f32
    %broadcast_in_dim3A_65 = vector.broadcast %jit3A_64 : f32 to vector<16x1xf32>
    %select_n3A_66 = arith.select %eq3A_63, %broadcast_in_dim3A_65, %select_n3A_60 : vector<16x1xi1>, vector<16x1xf32>
    %div3A = arith.divf %select_n3A, %select_n3A_66 : vector<16x1xf32>
    %reduce_sum3A = vector.shape_cast %div3A : vector<16x1xf32> to vector<1x16x1xf32>
    %reduce_sum3A_67 = arith.constant dense<0.000000e+00> : vector<1xf32>
    %reduce_sum3A_68 = vector.multi_reduction <add>, %reduce_sum3A, %reduce_sum3A_67 [1, 2] : vector<1x16x1xf32> to vector<1xf32>
    %reduce_sum3A_69 = vector.shape_cast %reduce_sum3A_68 : vector<1xf32> to vector<1x1x1xf32>
    %reduce_sum3A_70 = vector.extract %reduce_sum3A_69[0, 0, 0] : f32 from vector<1x1x1xf32>
    %mul3A_71 = arith.constant 6.250000e-02 : f32
    %mul3A_72 = arith.mulf %reduce_sum3A_70, %mul3A_71 : f32
    %reshape3A = vector.broadcast %mul3A_72 : f32 to vector<1x1xf32>
    %swap3A = arith.constant 0 : index
    %swap3A_73 = arith.constant 0 : index
    %swap3A_74 = vector.load %arg2[%swap3A, %swap3A_73] : memref<1x1xf32, #tpu.memory_space<vmem>>, vector<1x1xf32>
    tpu.vector_store %arg2[%swap3A, %swap3A_73], %reshape3A {strides = array<i32>} : memref<1x1xf32, #tpu.memory_space<vmem>>, vector<1x1xf32>,
    return
  }
}

</mosaic_0001>

<sc_bundles>
// kernel: kernel.4.cloned.1.call-start
scs
__scs_entry_jumppad:
0x0: {  	(pc) =	sbr.rel $0x88, $3  }
0x1: {  	(tag) =	ssettag $0x0;
	lr =	simm.s32 $0x1  }
0x2: {  	[smem:$0x3F9D] =	sst lr;
	_ =	strace $0xD0000000  }
0x3: {  	_ = 	snop  }
0x4: {  	_ = 	snop  }
0x5: {  	_ = 	snop  }
0x6: {  	_ = 	snop  }
0x7: {  	_ = 	snop  }
__scs_overlays_trampoline_lowered:
0x8: {  	[smem:$0x3FAC] =	sst s0  }
0x9: {  	[smem:$0x3FAD] =	sst s1  }
0xa: {  	[smem:$0x3FAE] =	sst s2  }
0xb: {  	[smem:$0x3FAF] =	sst s3  }
0xc: {  	[smem:$0x3FB0] =	sst s4  }
0xd: {  	[smem:$0x3FB1] =	sst s5  }
0xe: {  	[smem:$0x3FB2] =	sst s6  }
0xf: {  	[smem:$0x3FB3] =	sst s7  }
0x10: {  	[smem:$0x3FB4] =	sst s8  }
0x11: {  	[smem:$0x3FB5] =	sst s9;
	s0 =	simm.s32 @!p0 $0x0  }
0x12: {  	s1 =	sld [smem:$0x3F9B];
	s0 =	simm.s32 @p0 $0x1  }
0x13: {  	[smem:$0x3FB6] =	sst s0;
	s0 =	simm.s32 @!p1 $0x0  }
0x14: {  	s2 =	sld [smem:$0x3F9A];
	s0 =	simm.s32 @p1 $0x1  }
0x15: {  	[smem:$0x3FB7] =	sst s0;
	s0 =	simm.s32 @!p2 $0x0  }
0x16: {  	s3 =	sld [smem:$0x3FDB];
	s0 =	simm.s32 @p2 $0x1  }
0x17: {  	s4 =	simm.s32 $0x1BF5;
	[smem:$0x3FB9] =	sst s0  }
0x18: {  	s0 =	sld [smem:$0x3F9C];
	_ =	swait.ge [sflag:s4], $0x0  }
0x19: {  	s7 =	sld [smem:$0x3F9D]  }
0x1a: {  	s8 =	sadd.s32 $0xFFFFE003, lr  }
0x1b: {  	s9 =	sadd.s32 $0xFFFFFEF7, lr;
	s5 =	simm.s32 $0xFFFFFFFF;
	p2 =	slt.u32 s8, $0xFFFFF086  }
0x1c: {  	p1 =	slt.u32 s9, $0xF7A;
	s5 =	simm.s32 @!p2 $0x0  }
0x1d: {  	s5 =	simm.s32 @p1 $0x1;
	p0 =	seq.s32 s7, s2  }
0x1e: {  	s7 =	smul.u32 @!p0 $0xF7A, s2;
	p2 =	seq.s32 @!p0 s5, $0x0  }
0x1f: {  	s9 =	smul.u32 $0xF7A, s1;
	s8 =	simm.s32 @!p0 $0x1BF5;
	p2 =	por !p2, p0  }
0x20: {  	[sflag:s8] =	ssyncset.s32 @!p0 $0xFFFFF086;
	s6 =	sadd.s32 @!p0 s3, s7;
	s7 =	simm.s32 @!p0 $0x108  }
0x21: {  	s3 =	sadd.s32 s3, s9;
	s6 =	sadd.s32 @!p0 $0x88, s6;
	s7 =	simm.s32 @p2 $0x1082  }
0x22: {  	[simem:s7], [sflag:s8] =	dma.local @!p0 [hbm:s6], $0xF7A  }
0x23: {  	s9 =	sor.u32 $0xD0000000, s2;
	s6 =	simm.s32 $0x108;
	_ =	swait.ge @!p0 [sflag:s8], $0x0  }
0x24: {  	s3 =	sadd.s32 $0x88, s3;
	s6 =	simm.s32 @!p1 $0x1082;
	[sflag:s4] =	ssyncset.s32 $0xFFFFF086  }
0x25: {  	[simem:s6], [sflag:s4] =	dma.local [hbm:s3], $0xF7A  }
0x26: {  	[smem:$0x3F9D] =	sst s1;
	(tag) =	ssettag s2;
	_ =	strace s9  }
0x27: {  	s1 =	sld [smem:$0x3FAD]  }
0x28: {  	s2 =	sld [smem:$0x3FAE]  }
0x29: {  	s4 =	sld [smem:$0x3FB0]  }
0x2a: {  	p0 =	seq.s32 s5, $0x0;
	s5 =	sld [smem:$0x3FB1]  }
0x2b: {  	s6 =	sld [smem:$0x3FB2]  }
0x2c: {  	s7 =	sld [smem:$0x3FB3]  }
0x2d: {  	s3 =	simm.s32 $0x108;
	s8 =	sld [smem:$0x3FB4]  }
0x2e: {  	s3 =	simm.s32 @!p0 $0x1082;
	s9 =	sld [smem:$0x3FB5]  }
0x2f: {  	lr =	sadd.s32 s0, s3;
	s0 =	sld [smem:$0x3FAC]  }
0x30: {  	s3 =	sld [smem:$0x3FAF]  }
0x31: {  	[smem:$0x3FB8] =	sst s10  }
0x32: {  	s10 =	sld [smem:$0x3FB6];
	_ =	sdelay $0x3  }
0x33: {  	p0 =	seq.s32 s10, $0x1;
	s10 =	sld [smem:$0x3FB8];
	_ =	sdelay $0x3  }
0x34: {  	[smem:$0x3FB8] =	sst s10  }
0x35: {  	s10 =	sld [smem:$0x3FB7];
	_ =	sdelay $0x3  }
0x36: {  	p1 =	seq.s32 s10, $0x1;
	s10 =	sld [smem:$0x3FB8];
	_ =	sdelay $0x3  }
0x37: {  	[smem:$0x3FB8] =	sst s10  }
0x38: {  	s10 =	sld [smem:$0x3FB9]  }
0x39: {  	_ = 	snop;
	(pc) =	sbr.ind lr, $3  }
0x3a: {  	_ = 	snop  }
0x3b: {  	_ = 	snop  }
0x3c: {  	p2 =	seq.s32 s10, $0x1;
	s10 =	sld [smem:$0x3FB8]  }
0x3d: {  	_ =	shalt  }
0x3e: {  	_ =	shalt  }
0x3f: {  	_ =	shalt  }
0x40: {  	_ =	shalt  }
0x41: {  	_ =	shalt  }
0x42: {  	_ =	shalt  }
0x43: {  	_ =	shalt  }
0x44: {  	_ =	shalt  }
0x45: {  	_ =	shalt  }
0x46: {  	_ =	shalt  }
0x47: {  	_ =	shalt  }
0x48: {  	_ =	shalt  }
0x49: {  	_ =	shalt  }
0x4a: {  	_ =	shalt  }
0x4b: {  	_ =	shalt  }
0x4c: {  	_ =	shalt  }
0x4d: {  	_ =	shalt  }
0x4e: {  	_ =	shalt  }
0x4f: {  	_ =	shalt  }
0x50: {  	_ =	shalt  }
0x51: {  	_ =	shalt  }
0x52: {  	_ =	shalt  }
0x53: {  	_ =	shalt  }
0x54: {  	_ =	shalt  }
0x55: {  	_ =	shalt  }
0x56: {  	_ =	shalt  }
0x57: {  	_ =	shalt  }
0x58: {  	_ =	shalt  }
0x59: {  	_ =	shalt  }
0x5a: {  	_ =	shalt  }
0x5b: {  	_ =	shalt  }
0x5c: {  	_ =	shalt  }
0x5d: {  	_ =	shalt  }
0x5e: {  	_ =	shalt  }
0x5f: {  	_ =	shalt  }
0x60: {  	_ =	shalt  }
0x61: {  	_ =	shalt  }
0x62: {  	_ =	shalt  }
0x63: {  	_ =	shalt  }
0x64: {  	_ =	shalt  }
0x65: {  	_ =	shalt  }
0x66: {  	_ =	shalt  }
0x67: {  	_ =	shalt  }
0x68: {  	_ =	shalt  }
0x69: {  	_ =	shalt  }
0x6a: {  	_ =	shalt  }
0x6b: {  	_ =	shalt  }
0x6c: {  	_ =	shalt  }
0x6d: {  	_ =	shalt  }
0x6e: {  	_ =	shalt  }
0x6f: {  	_ =	shalt  }
0x70: {  	_ =	shalt  }
0x71: {  	_ =	shalt  }
0x72: {  	_ =	shalt  }
0x73: {  	_ =	shalt  }
0x74: {  	_ =	shalt  }
0x75: {  	_ =	shalt  }
0x76: {  	_ =	shalt  }
0x77: {  	_ =	shalt  }
0x78: {  	_ =	shalt  }
0x79: {  	_ =	shalt  }
0x7a: {  	_ =	shalt  }
0x7b: {  	_ =	shalt  }
0x7c: {  	_ =	shalt  }
0x7d: {  	_ =	shalt  }
0x7e: {  	_ =	shalt  }
0x7f: {  	_ =	shalt  }
0x80: {  	_ =	shalt  }
0x81: {  	_ =	shalt  }
0x82: {  	_ =	shalt  }
0x83: {  	_ =	shalt  }
0x84: {  	_ =	shalt  }
0x85: {  	_ =	shalt  }
0x86: {  	_ =	shalt  }
0x87: {  	_ =	shalt  }
.Lfunc_end0:
.L_simem_size_0:
called_computation_lowered:
.L_overlay_start_0:
0x88: {  	s2 =	sld [smem:$0x3FD9]  }
0x89: {  	s3 =	sld [smem:$0x3FFE];
	_ =	sdelay $0x1  }
0x8a: {  	s1 =	srdreg.scid  }
0x8b: {  	s0 =	sand.u32 $0x1, s1  }
0x8c: {  	s16 =	sshll.u32 s0, $0xA;
	s2 =	sadd.s32 s3, s2  }
0x8d: {  	s2 =	sadd.s32 s2, s16  }
0x8e: {  	[smem:$0x3FC4] =	sst s2  }
0x8f: {  	_ = 	snop  }
0x90: {  	(tm) =	ssettm $0x1  }
0x91: {  	s17 =	sld [smem:$0x3FFB];
	_ =	sdelay $0x3  }
0x92: {  	_ =	strace s17  }
0x93: {  	s2 =	sld [smem:$0x3FFC];
	_ =	sdelay $0x3  }
0x94: {  	_ =	strace s2  }
0x95: {  	s2 =	sld [smem:$0x3FFD];
	_ =	sdelay $0x3  }
0x96: {  	_ =	strace s2  }
0x97: {  	_ =	strace $0x8FFFFFFF  }
0x98: {  	s18 =	sld [smem:$0x3FDB];
	_ =	sdelay $0x1  }
0x99: {  	s19 =	simm.s32 $_scs_section_size  }
0x9a: {  	s4 =	simm.s32 $_size__tile_overlayer_lowered;
	s5 =	simm.s32 $_tile_overlayer_lowered  }
0x9b: {  	s22 =	simm.s32 $0x1BFF;
	s21 =	sshll.u32 s5, $0x1;
	s2 =	sadd.s32 s19, s18  }
0x9c: {  	s6 =	simm.s32 $0x0;
	s20 =	sshll.u32 s4, $0x1;
	s4 =	sadd.s32 s21, s2  }
0x9d: {  	[timem:s6], [sflag:s22] =	dma.local [hbm:s4], s20  }
0x9e: {  	_ =	swait.ge [sflag:s22], s20  }
0x9f: {  	s3 =	ssub.s32 $0x0, s20;
	[sflag:s22] =	ssyncset.done $0x0  }
0xa0: {  	[sflag:s22] =	ssyncadd.s32 s3;
	_ =	sdelay $0x1  }
0xa1: {  	s23 =	simm.s32 $0x1B8B  }
0xa2: {  	_ =	swait.ge [sflag:s23], $0x1  }
0xa3: {  	[sflag:s23] =	ssyncset.done $0x0  }
0xa4: {  	s25 =	simm.s32 $0x1B8E;
	s24 =	sld [smem:$0x3FFE];
	[sflag:s23] =	ssyncadd.s32 $0xFFFFFFFF  }
0xa5: {  	s26 =	simm.s32 $execute0_lowered;
	[smem:$0x3FD2] =	sst s25  }
0xa6: {  	s4 =	sshll.u32 s26, $0x1;
	_ =	strace $0x80000046;
	[dreg:$0x1] =	wrdreg $0xFFFFFFFF  }
0xa7: {  	s28 =	simm.s32 $_size_execute0_lowered;
	s2 =	sadd.s32 s2, s4;
	[dreg:$0x0] =	wrdreg $0x0  }
0xa8: {  	s4 =	sshll.u32 s28, $0x1;
	[dreg:$0x2] =	wrdreg s2  }
0xa9: {  	[dreg:$0x3] =	wrdreg s4  }
0xaa: {  	[dreg:$0x4] =	wrdreg $0xC0  }
0xab: {  	_ =	task [dreg:s6], $0x5FFFF  }
0xac: {  	[dreg:$0x1] =	wrdreg $0xFFFFFFFF  }
0xad: {  	[dreg:$0x0] =	wrdreg $0x60  }
0xae: {  	[dreg:$0x2] =	wrdreg s24  }
0xaf: {  	[dreg:$0x3] =	wrdreg $0x9  }
0xb0: {  	_ =	task.clear_ibuf [dreg:s6], $0x4FFFF;
	_ =	strace $0x90000046  }
0xb1: {  	s29 =	simm.s32 $0x9;
	_ =	strace $0x80000048  }
0xb2: {  	_ =	swait.ge [sflag:s29], $0x1  }
0xb3: {  	[sflag:s29] =	ssyncadd.s32 $0xFFFFFFFF  }
0xb4: {  	_ =	strace $0x90000048  }
0xb5: {  	_ =	sfence  }
0xb6: {  	s30 =	sld [smem:$0x0];
	_ =	sdelay $0x2  }
0xb7: {  	s31 =	sshll.u32 s1, $0xD;
	s1 =	sshrl.u32 s1, $0x2  }
0xb8: {  	s3 =	sand.u32 $0x4000, s31;
	s1 =	sadd.s32 s1, s30  }
0xb9: {  	s0 =	sor.u32 s3, s0;
	s1 =	sshll.u32 s1, $0x11  }
0xba: {  	s0 =	sor.u32 s1, s0  }
0xbb: {  	s0 =	sadd.s32 $0x8F2B, s0  }
0xbc: {  	[sflag:s0] =	ssyncadd.remote.s32 $0x1  }
0xbd: {  	_ =	sfence.sel $0xFFFF  }
0xbe: {  	[dreg:$0x0] =	wrdreg $0xFFFFFFFF;
	(pc) =	sbr.abs _section_cstart, $3  }
0xbf: {  	[dreg:$0x1] =	wrdreg $0xFFFFFFFF  }
0xc0: {  	_ =	task.clear_ibuf [dreg:s6], $0x2FFFF;
	_ =	strace $0x9FFFFFFF  }
0xc1: {  	(tm) =	ssettm $0x7FFFFFFF  }
tec
execute0_lowered:
.L_overlay_start_1:
0x0: {  	(tag) =	ssettag $0x1  }
0x1: {  	s3 =	rddreg [dreg:$0x0]  }
0x2: {  	s2 =	simm.s32 $0x0;
	s4 =	srdreg.scid;
	s0 =	stileid.u32  }
0x3: {  	[smem:$0x7FF] =	sst s2;
	s8 =	sand.u32 $0x1, s4;
	s26 =	sshll.u32 s0, $0x8  }
0x4: {  	s5 =	sshll.u32 s0, $0x4;
	_ =	strace $0x80000047;
	s6 =	ssub.s32 $0x2, s8  }
0x5: {  	s7 =	sadd.s32 s26, s3;
	s9 =	sadd.s32 s5, s3;
	s30 =	sshll.u32 s8, $0x8  }
0x6: {  	s14 =	sshll.u32 s8, $0xA;
	s28 =	sshrl.u32 s6, $0x1;
	s29 =	sadd.s32 $0x1600, s7  }
0x7: {  	s4 =	sadd.s32 $0x2600, s7;
	s5 =	sadd.s32 $0x600, s7;
	s31 =	sadd.s32 s30, s9  }
0x8: {  	s15 =	sor.u32 $0x800, s14;
	s16 =	sor.u32 $0x1000, s14;
	v1 =	vmov s14;
	s14 =	simm.s32 $0x0  }
0x9: {  	vm0 =	vcmask $0x704;
	s10 =	ssub.s32 s6, s28;
	[dreg:$0x2] =	wrdreg s29;
	s6 =	sadd.s32 $0x3600, s9  }
0xa: {  	v0 =	vlaneseq.u32;
	s7 =	sadd.s32 $0x3800, s31;
	s9 =	simm.s32 $0x1;
	v2 =	vmov s15;
	v3 =	vmov s16;
	s8 =	smax.u32 s10, $0x1  }
.LBB2_1:
0xb: {  	s0 =	rddreg [dreg:$0x2]  }
0xc: {  	[tilespmem:s2], [sflag:$0x1] =	stream.linear.gather [hbm4b:s0+s2], $0x800, $0x38;
	[tilespmem:$0x4900] =	vst v63  }
0xd: {  	_ =	swait.ge [sflag:s9], $0x800  }
0xe: {  	[sflag:s9] =	ssyncset.done $0x0  }
0xf: {  	s29 =	simm.s32 $0x800;
	[sflag:s9] =	ssyncadd.s32 $0xFFFFF800  }
0x10: {  	[tilespmem:s29], [sflag:$0x1] =	stream.linear.gather [hbm4b:s4+s2], $0x800, $0x38;
	[tilespmem:$0x4900] =	vst v63  }
0x11: {  	_ =	swait.ge [sflag:s9], $0x800  }
0x12: {  	[sflag:s9] =	ssyncset.done $0x0  }
0x13: {  	s30 =	simm.s32 $0x1000;
	[sflag:s9] =	ssyncadd.s32 $0xFFFFF800  }
0x14: {  	[tilespmem:s30], [sflag:$0x1] =	stream.linear.gather [hbm4b:s5+s2], $0x800, $0x38;
	[tilespmem:$0x4900] =	vst v63  }
0x15: {  	_ =	swait.ge [sflag:s9], $0x800  }
0x16: {  	[sflag:s9] =	ssyncset.done $0x0  }
0x17: {  	s31 =	simm.s32 $0x4800;
	[sflag:s9] =	ssyncadd.s32 $0xFFFFF800  }
0x18: {  	[tilespmem:s31], [sflag:$0x1] =	stream.linear.gather [hbm4b:s6+s2], $0x20, $0x38;
	[tilespmem:$0x4900] =	vst v63  }
0x19: {  	_ =	swait.ge [sflag:s9], $0x20  }
0x1a: {  	[sflag:s9] =	ssyncset.done $0x0  }
0x1b: {  	[sflag:s9] =	ssyncadd.s32 $0xFFFFFFE0  }
0x1c: {  	v4 =	vld [tilespmem:$0x4800];
	_ =	sdelay $0x1  }
0x1d: {  	s16 =	simm.s32 $0x0  }
0x1e: {  	v13 =	vld [tilespmem:s16+$0x800]  }
0x1f: {  	v14 =	vld [tilespmem:s16+$0x0]  }
0x20: {  	v9 =	vbroadcast v4, $0x0  }
0x21: {  	v15 =	vld [tilespmem:s16+$0x1000];
	v8 =	vbroadcast v4, $0x1;
	v12 =	vbroadcast v4, $0x3  }
0x22: {  	s15 =	simm.s32 $0x10;
	v5 =	vbroadcast v4, $0x4;
	v11 =	vbroadcast v4, $0x2  }
0x23: {  	v19 =	vld [tilespmem:s15+$0x0];
	v10 =	vbroadcast v4, $0x5;
	v6 =	vbroadcast v4, $0x6  }
0x24: {  	v18 =	vld [tilespmem:s15+$0x800];
	v16 =	vmul.f32 v13, v5;
	v17 =	vmul.f32 v14, v12  }
0x25: {  	v22 =	vld [tilespmem:s15+$0x1000];
	v7 =	vbroadcast v4, $0x7;
	v4 =	vbroadcast v4, $0x8  }
0x26: {  	v20 =	vmul.f32 v13, v8;
	v16 =	vadd.f32 v16, v17;
	v17 =	vmul.f32 v15, v10  }
0x27: {  	v21 =	vmul.f32 v14, v9;
	v14 =	vmul.f32 v14, v6  }
0x28: {  	v13 =	vmul.f32 v13, v7;
	v25 =	vmul.f32 v19, v6;
	v23 =	vadd.f32 v17, v16  }
0x29: {  	v16 =	vmul.f32 v15, v11;
	v17 =	vmul.f32 v15, v4;
	v15 =	vadd.f32 v20, v21  }
0x2a: {  	v27 =	vmul.f32 v18, v7;
	v28 =	vmul.f32 v22, v11  }
0x2b: {  	v13 =	vadd.f32 v13, v14;
	v21 =	vmul.f32 v18, v8;
	v26 =	vadd.f32 v16, v15  }
0x2c: {  	s17 =	simm.s32 $0x20;
	v20 =	vmul.f32 v18, v5;
	v16 =	vmul.f32 v19, v12  }
0x2d: {  	v24 =	vmul.f32 v23, v23;
	v15 =	vld [tilespmem:s17+$0x800];
	v17 =	vadd.f32 v17, v13;
	v13 =	vmul.f32 v26, v26  }
0x2e: {  	v14 =	vld [tilespmem:s17+$0x0];
	v18 =	vmul.f32 v19, v9;
	v19 =	vmul.f32 v22, v10;
	v16 =	vadd.f32 v20, v16  }
0x2f: {  	v20 =	vmul.f32 v22, v4;
	v29 =	vmul.f32 $-2.000000000e+00, v26;
	v22 =	vadd.f32 v24, v13  }
0x30: {  	v24 =	vmul.f32 v17, v17;
	v16 =	vadd.f32 v19, v16;
	v19 =	vmul.f32 $-2.000000000e+00, v17;
	v17 =	vld [tilespmem:s17+$0x1000]  }
0x31: {  	v30 =	vadd.f32 v21, v18;
	v21 =	vmul.f32 $-2.000000000e+00, v23;
	v26 =	vadd.f32 v27, v25  }
0x32: {  	v13 =	vld [tilespmem:$0x4810];
	[tilespmem:s16+$0x1800] =	vst v29;
	v18 =	vmul.f32 v15, v8;
	v25 =	vmul.f32 v15, v5;
	v24 =	vadd.f32 v22, v24  }
0x33: {  	s18 =	simm.s32 $0xC0;
	v23 =	vmul.f32 v16, v16;
	[tilespmem:s16+$0x2800] =	vst v19;
	v19 =	vmul.f32 v14, v6;
	v22 =	vadd.f32 v28, v30  }
.LBB2_2:
0x34: {  	s19 =	sshra.s32 s18, $0x2;
	p0 =	sne.s32 s18, $0x1FC0;
	s18 =	sadd.s32 $0x40, s18;
	v27 =	vmul.f32 v14, v12;
	v28 =	vmul.f32 v15, v7;
	[tilespmem:s16+$0x3000] =	vst v24;
	v24 =	vmov v16  }
0x35: {  	v26 =	vadd.f32 v20, v26;
	v15 =	vld [tilespmem:s19+$0x800];
	v29 =	vmul.f32 v17, v11;
	v16 =	vmul.f32 v22, v22;
	[tilespmem:s16+$0x2000] =	vst v21;
	s16 =	smov.u32 s15;
	s15 =	smov.u32 s17;
	s17 =	smov.u32 s19  }
0x36: {  	v21 =	vmul.f32 v14, v9;
	v14 =	vld [tilespmem:s17+$0x0];
	v25 =	vadd.f32 v25, v27;
	v27 =	vmul.f32 v17, v10  }
.Ltmp0:
0x37: {  	v20 =	vmul.f32 v17, v4;
	v30 =	vmul.f32 v26, v26;
	v23 =	vadd.f32 v23, v16;
	(pc) =	sbr.rel @p0 .LBB2_2-.Ltmp0, $4  }
0x38: {  	v17 =	vld [tilespmem:s17+$0x1000];
	v16 =	vadd.f32 v27, v25;
	v27 =	vmul.f32 $-2.000000000e+00, v22;
	v22 =	vmul.f32 $-2.000000000e+00, v26  }
0x39: {  	v31 =	vadd.f32 v18, v21;
	v21 =	vmul.f32 $-2.000000000e+00, v24;
	v24 =	vadd.f32 v23, v30  }
0x3a: {  	v26 =	vadd.f32 v28, v19;
	v18 =	vmul.f32 v15, v8;
	v23 =	vmul.f32 v16, v16;
	[tilespmem:s16+$0x2800] =	vst v22  }
0x3b: {  	v25 =	vmul.f32 v15, v5;
	v22 =	vadd.f32 v29, v31;
	v19 =	vmul.f32 v14, v6;
	[tilespmem:s16+$0x1800] =	vst v27  }
0x3c: {  	v27 =	vmul.f32 v14, v12;
	v15 =	vmul.f32 v15, v7  }
0x3d: {  	v20 =	vadd.f32 v20, v26;
	v14 =	vmul.f32 v14, v9;
	v16 =	vmul.f32 $-2.000000000e+00, v16  }
0x3e: {  	v26 =	vmul.f32 v22, v22;
	v28 =	vmul.f32 v17, v11;
	v25 =	vadd.f32 v25, v27  }
0x3f: {  	v27 =	vmul.f32 v17, v10;
	v17 =	vmul.f32 v17, v4;
	v14 =	vadd.f32 v18, v14  }
0x40: {  	[tilespmem:s16+$0x3000] =	vst v24;
	v15 =	vadd.f32 v15, v19;
	v18 =	vadd.f32 v23, v26;
	v23 =	vmul.f32 v20, v20  }
0x41: {  	[tilespmem:s16+$0x2000] =	vst v21;
	v19 =	vmul.f32 $-2.000000000e+00, v22;
	v25 =	vadd.f32 v27, v25;
	v14 =	vadd.f32 v28, v14  }
0x42: {  	[tilespmem:s15+$0x2000] =	vst v16;
	v20 =	vmul.f32 $-2.000000000e+00, v20;
	v15 =	vadd.f32 v17, v15;
	v18 =	vadd.f32 v18, v23  }
0x43: {  	[tilespmem:s15+$0x1800] =	vst v19;
	v21 =	vmul.f32 v25, v25;
	v17 =	vmul.f32 v14, v14  }
0x44: {  	[tilespmem:s15+$0x3000] =	vst v18;
	v18 =	vmul.f32 v15, v15;
	v15 =	vmul.f32 $-2.000000000e+00, v15  }
0x45: {  	[tilespmem:s15+$0x2800] =	vst v20;
	v14 =	vmul.f32 $-2.000000000e+00, v14;
	v17 =	vadd.f32 v21, v17  }
0x46: {  	[tilespmem:s17+$0x2800] =	vst v15;
	v15 =	vmul.f32 $-2.000000000e+00, v25  }
0x47: {  	[tilespmem:s17+$0x1800] =	vst v14;
	v16 =	vadd.f32 v17, v18  }
0x48: {  	[tilespmem:s17+$0x2000] =	vst v15  }
0x49: {  	s30 =	simm.s32 $0x0;
	[tilespmem:s17+$0x3000] =	vst v16  }
0x4a: {  	v22 =	vbroadcast v13, $0x1;
	v17 =	vld.idx.msk [tilespmem:v2+s30+$0x0 ss:$0x1], $0xffff  }
0x4b: {  	v19 =	vbroadcast v13, $0x2;
	v23 =	vbroadcast v13, $0x4;
	v24 =	vld.idx.msk [tilespmem:v1+s30+$0x0 ss:$0x1], $0xffff  }
0x4c: {  	v20 =	vbroadcast v13, $0x7;
	v21 =	vbroadcast v13, $0x6;
	v25 =	vld.idx.msk [tilespmem:v3+s30+$0x0 ss:$0x1], $0xffff  }
0x4d: {  	v14 =	vbroadcast v13, $0x8;
	v18 =	vbroadcast v13, $0x0  }
0x4e: {  	v15 =	vbroadcast v13, $0x5;
	v16 =	vbroadcast v13, $0x3  }
0x4f: {  	v13 =	vmul.f32 v17, v22;
	v26 =	vmul.f32 v17, v23  }
0x50: {  	v27 =	vmul.f32 v24, v12;
	v28 =	vmul.f32 v24, v18  }
0x51: {  	v29 =	vmul.f32 v25, v11;
	v30 =	vmul.f32 v25, v19  }
0x52: {  	v31 =	vmul.f32 v24, v9;
	v32 =	vmul.f32 v24, v21  }
0x53: {  	v33 =	vmul.f32 v24, v16;
	v34 =	vmul.f32 v17, v20;
	v13 =	vadd.f32 v13, v28  }
0x54: {  	v35 =	vmul.f32 v25, v10;
	v28 =	vmul.f32 v17, v8  }
0x55: {  	v26 =	vadd.f32 v26, v33;
	v13 =	vadd.f32 v30, v13;
	v30 =	vmul.f32 v25, v15  }
0x56: {  	v52 =	vmul.f32 v25, v14;
	v53 =	vmul.f32 v17, v5;
	v32 =	vadd.f32 v34, v32  }
0x57: {  	v24 =	vmul.f32 v24, v6;
	v28 =	vadd.f32 v28, v31;
	v26 =	vadd.f32 v30, v26  }
0x58: {  	v17 =	vmul.f32 v17, v7;
	v27 =	vadd.f32 v53, v27;
	v30 =	vadd.f32 v52, v32  }
0x59: {  	v28 =	vadd.f32 v29, v28;
	v29 =	vmul.f32 v13, v13;
	v31 =	vmul.f32 v26, v26  }
0x5a: {  	v17 =	vadd.f32 v17, v24;
	v24 =	vmul.f32 v25, v4;
	v25 =	vadd.f32 v35, v27  }
0x5b: {  	v27 =	vsub.f32 v28, v13;
	v28 =	vadd.f32 v31, v29;
	v29 =	vmul.f32 v30, v30  }
0x5c: {  	[tilespmem:s30+$0x3800] =	vst v13;
	v13 =	vadd.f32 v24, v17  }
0x5d: {  	v17 =	vsub.f32 v25, v26;
	[tilespmem:s30+$0x4000] =	vst v30;
	v24 =	vadd.f32 v28, v29  }
0x5e: {  	[tilespmem:s30+$0x3C00] =	vst v26  }
0x5f: {  	s31 =	simm.s32 $0x10;
	v13 =	vsub.f32 v13, v30;
	v25 =	vmul.f32 v27, v27;
	v17 =	vmul.f32 v17, v17;
	[tilespmem:s30+$0x4400] =	vst v24  }
0x60: {  	v24 =	vld.idx.msk [tilespmem:v2+s31+$0x0 ss:$0x1], $0xffff  }
0x61: {  	v13 =	vmul.f32 v13, v13;
	v17 =	vadd.f32 v17, v25;
	v25 =	vld.idx.msk [tilespmem:v1+s31+$0x0 ss:$0x1], $0xffff  }
0x62: {  	v26 =	vld.idx.msk [tilespmem:v3+s31+$0x0 ss:$0x1], $0xffff  }
0x63: {  	v13 =	vadd.f32 v17, v13;
	_ =	sdelay $0x1  }
0x64: {  	v17 =	vmul.f32 $5.000000000e-01, v13;
	v27 =	vmul.f32 v24, v22  }
0x65: {  	v28 =	vmul.f32 v24, v23;
	v29 =	vmul.f32 v25, v12  }
0x66: {  	v30 =	vmul.f32 v25, v18;
	v54 =	vmul.f32 v26, v11  }
0x67: {  	v55 =	vmul.f32 v26, v19;
	v56 =	vmul.f32 v25, v9  }
0x68: {  	v31 =	vshra.s32 v13, $0x1;
	v57 =	vmul.f32 v24, v8;
	v36 =	vmul.f32 v25, v16  }
0x69: {  	v31 =	vsub.s32 $0x5F3759DF, v31;
	v37 =	vmul.f32 v24, v20;
	v38 =	vmul.f32 v26, v10  }
0x6a: {  	v59 =	vmul.f32 v26, v15;
	v61 =	vmul.f32 v24, v5;
	v27 =	vadd.f32 v27, v30  }
0x6b: {  	v24 =	vmul.f32 v24, v7;
	v30 =	vmul.f32 v25, v21;
	v28 =	vadd.f32 v28, v36  }
0x6c: {  	v58 =	vadd.f32 v57, v56;
	v25 =	vmul.f32 v25, v6;
	v27 =	vadd.f32 v55, v27  }
0x6d: {  	v60 =	vmul.f32 v26, v14;
	v30 =	vadd.f32 v37, v30;
	v28 =	vadd.f32 v59, v28  }
0x6e: {  	v26 =	vmul.f32 v26, v4;
	v29 =	vadd.f32 v61, v29;
	v24 =	vadd.f32 v24, v25  }
0x6f: {  	v30 =	vadd.f32 v60, v30;
	v25 =	vmul.f32 v27, v27;
	v34 =	vmul.f32 v28, v28  }
0x70: {  	v62 =	vmul.f32 v31, v17;
	v32 =	vadd.f32 v54, v58;
	v29 =	vadd.f32 v38, v29  }
0x71: {  	v24 =	vadd.f32 v26, v24;
	v25 =	vadd.f32 v34, v25;
	v26 =	vmul.f32 v30, v30  }
0x72: {  	v63 =	vmul.f32 v31, v62;
	[tilespmem:s31+$0x3800] =	vst v27;
	v27 =	vsub.f32 v32, v27;
	v29 =	vsub.f32 v29, v28  }
0x73: {  	[tilespmem:s31+$0x3C00] =	vst v28;
	v24 =	vsub.f32 v24, v30;
	v25 =	vadd.f32 v25, v26  }
0x74: {  	[tilespmem:s31+$0x4000] =	vst v30;
	v27 =	vmul.f32 v27, v27;
	v28 =	vmul.f32 v29, v29;
	v26 =	vsub.f32 $1.500000000e+00, v63  }
0x75: {  	s17 =	simm.s32 $0x20;
	[tilespmem:s31+$0x4400] =	vst v25  }
0x76: {  	v24 =	vmul.f32 v24, v24;
	v26 =	vmul.f32 v31, v26;
	v25 =	vadd.f32 v28, v27;
	v30 =	vld.idx.msk [tilespmem:v2+s17+$0x0 ss:$0x1], $0xffff  }
0x77: {  	v32 =	vld.idx.msk [tilespmem:v1+s17+$0x0 ss:$0x1], $0xffff  }
0x78: {  	v31 =	vld.idx.msk [tilespmem:v3+s17+$0x0 ss:$0x1], $0xffff;
	v27 =	vmul.f32 v26, v17;
	v24 =	vadd.f32 v25, v24;
	_ =	sdelay $0x1  }
0x79: {  	v25 =	vimm.f32 $0.0e+00;
	v29 =	vmul.f32 v27, v26;
	v27 =	vmul.f32 $5.000000000e-01, v24  }
0x7a: {  	v28 =	vshra.s32 v24, $0x1;
	v36 =	vmul.f32 v30, v22;
	v35 =	vmul.f32 v30, v23  }
0x7b: {  	v28 =	vsub.s32 $0x5F3759DF, v28;
	v33 =	vmul.f32 v32, v12;
	v38 =	vmul.f32 v32, v18  }
0x7c: {  	s18 =	simm.s32 $0x100;
	s16 =	simm.s32 $0x30;
	s15 =	simm.s32 $0x0;
	v29 =	vsub.f32 $1.500000000e+00, v29;
	v34 =	vmul.f32 v31, v11;
	v37 =	vmul.f32 v31, v19  }
.LBB2_4:
0x7d: {  	p0 =	sne.s32 s18, $0xFC0;
	v39 =	vmul.f32 v32, v9;
	v36 =	vadd.f32 v36, v38;
	v38 =	vmul.f32 v32, v21;
	s19 =	smov.u32 s18;
	s18 =	sadd.s32 $0x40, s18  }
0x7e: {  	v40 =	vmul.f32 v30, v8;
	v41 =	vmul.f32 v30, v20  }
0x7f: {  	v42 =	vmul.f32 v31, v10;
	v36 =	vadd.f32 v37, v36;
	v37 =	vmul.f32 v32, v16  }
0x80: {  	v39 =	vadd.f32 v40, v39;
	v38 =	vadd.f32 v41, v38;
	v40 =	vmul.f32 v31, v14  }
0x81: {  	v41 =	vmul.f32 v30, v5;
	v35 =	vadd.f32 v35, v37;
	v37 =	vmul.f32 v31, v15;
	[tilespmem:s17+$0x3800] =	vst v36  }
0x82: {  	v32 =	vmul.f32 v32, v6;
	v30 =	vmul.f32 v30, v7;
	v38 =	vadd.f32 v40, v38  }
0x83: {  	v34 =	vadd.f32 v34, v39;
	v35 =	vadd.f32 v37, v35;
	v37 =	vmul.f32 v28, v27  }
0x84: {  	v33 =	vadd.f32 v41, v33;
	v30 =	vadd.f32 v30, v32;
	v31 =	vmul.f32 v31, v4;
	[tilespmem:s17+$0x4000] =	vst v38  }
0x85: {  	v32 =	vmul.f32 v36, v36;
	v34 =	vsub.f32 v34, v36;
	[tilespmem:s17+$0x3C00] =	vst v35;
	v39 =	vmul.f32 v35, v35  }
0x86: {  	v33 =	vadd.f32 v42, v33;
	v30 =	vadd.f32 v31, v30;
	v31 =	vmul.f32 v28, v37  }
0x87: {  	v29 =	vmul.f32 v29, v26;
	v36 =	vmul.f32 v38, v38;
	v32 =	vadd.f32 v39, v32  }
0x88: {  	v26 =	vsub.f32 v33, v35;
	v30 =	vsub.f32 v30, v38;
	v33 =	vmul.f32 v34, v34  }
0x89: {  	v34 =	vmul.f32 v29, v17;
	v17 =	vmovc v27;
	v31 =	vsub.f32 $1.500000000e+00, v31;
	v32 =	vadd.f32 v32, v36  }
0x8a: {  	v27 =	vmul.f32 v26, v26;
	v35 =	vmul.f32 v30, v30  }
0x8b: {  	v26 =	vmul.f32 v28, v31;
	v28 =	vmul.f32 v34, v29;
	[tilespmem:s17+$0x4400] =	vst v32;
	s17 =	smov.u32 s16  }
0x8c: {  	v27 =	vadd.f32 v27, v33;
	v30 =	vld.idx.msk [tilespmem:v2+s17+$0x0 ss:$0x1], $0xffff  }
0x8d: {  	v33 =	vmul.f32 v26, v17;
	v28 =	vsub.f32 $1.500000000e+00, v28;
	v32 =	vld.idx.msk [tilespmem:v1+s17+$0x0 ss:$0x1], $0xffff  }
0x8e: {  	v34 =	vadd.f32 v27, v35;
	v31 =	vld.idx.msk [tilespmem:v3+s17+$0x0 ss:$0x1], $0xffff  }
0x8f: {  	v33 =	vmul.f32 v33, v26;
	v35 =	vmul.f32 v28, v29  }
.Ltmp1:
0x90: {  	v28 =	vshra.s32 v34, $0x1;
	v27 =	vmul.f32 $5.000000000e-01, v34;
	(pc) =	sbr.rel @p0 .LBB2_4-.Ltmp1, $4  }
0x91: {  	v28 =	vsub.s32 $0x5F3759DF, v28;
	v29 =	vsub.f32 $1.500000000e+00, v33;
	v37 =	vmul.f32 v35, v13;
	v13 =	vmovc v24;
	v24 =	vmovc v34  }
0x92: {  	v36 =	vmul.f32 v30, v22;
	v35 =	vmul.f32 v30, v23  }
0x93: {  	v25 =	vadd.f32 v37, v25;
	v33 =	vmul.f32 v32, v12;
	v38 =	vmul.f32 v32, v18  }
0x94: {  	s16 =	sshra.s32 s19, $0x2;
	v34 =	vmul.f32 v31, v11;
	v37 =	vmul.f32 v31, v19  }
0x95: {  	v39 =	vmul.f32 v32, v16  }
0x96: {  	v36 =	vadd.f32 v36, v38;
	v63 =	vmul.f32 v32, v21  }
0x97: {  	v40 =	vmul.f32 v30, v20;
	v43 =	vmul.f32 v31, v15;
	v35 =	vadd.f32 v35, v39  }
0x98: {  	v36 =	vadd.f32 v37, v36  }
0x99: {  	v45 =	vmul.f32 v31, v14;
	v44 =	vadd.f32 v40, v63;
	v35 =	vadd.f32 v43, v35;
	_ =	sdelay $0x1  }
0x9a: {  	v37 =	vadd.f32 v45, v44;
	v46 =	vmul.f32 v36, v36;
	v39 =	vmul.f32 v35, v35;
	_ =	sdelay $0x1  }
0x9b: {  	v47 =	vmul.f32 v37, v37;
	v38 =	vadd.f32 v39, v46  }
0x9c: {  	[tilespmem:s17+$0x3800] =	vst v36  }
0x9d: {  	[tilespmem:s17+$0x4000] =	vst v37;
	v38 =	vadd.f32 v38, v47  }
0x9e: {  	[tilespmem:s17+$0x3C00] =	vst v35  }
0x9f: {  	[tilespmem:s17+$0x4400] =	vst v38  }
0xa0: {  	v38 =	vld.idx.msk [tilespmem:v2+s16+$0x0 ss:$0x1], $0xffff  }
0xa1: {  	v48 =	vmul.f32 v32, v9;
	v41 =	vmul.f32 v30, v8;
	v50 =	vld.idx.msk [tilespmem:v1+s16+$0x0 ss:$0x1], $0xffff  }
0xa2: {  	v51 =	vmul.f32 v31, v10;
	v52 =	vmul.f32 v30, v5;
	v53 =	vld.idx.msk [tilespmem:v3+s16+$0x0 ss:$0x1], $0xffff  }
0xa3: {  	v54 =	vmul.f32 v32, v6;
	v55 =	vmul.f32 v30, v7  }
0xa4: {  	v56 =	vmul.f32 v31, v4;
	v49 =	vadd.f32 v41, v48;
	v33 =	vadd.f32 v52, v33  }
0xa5: {  	v30 =	vadd.f32 v55, v54;
	v22 =	vmul.f32 v38, v22;
	v23 =	vmul.f32 v38, v23  }
0xa6: {  	v34 =	vadd.f32 v34, v49;
	v12 =	vmul.f32 v50, v12;
	v18 =	vmul.f32 v50, v18  }
0xa7: {  	v57 =	vadd.f32 v51, v33;
	v11 =	vmul.f32 v53, v11;
	v19 =	vmul.f32 v53, v19  }
0xa8: {  	v30 =	vadd.f32 v56, v30;
	v59 =	vmul.f32 v50, v9;
	v60 =	vmul.f32 v50, v21  }
0xa9: {  	v34 =	vsub.f32 v34, v36;
	v61 =	vmul.f32 v38, v8;
	v62 =	vmul.f32 v38, v20  }
0xaa: {  	v63 =	vsub.f32 v30, v37;
	v30 =	vmul.f32 v53, v10;
	v32 =	vmul.f32 v50, v16  }
0xab: {  	v58 =	vsub.f32 v57, v35;
	v5 =	vmul.f32 v38, v5;
	v6 =	vmul.f32 v50, v6  }
0xac: {  	v7 =	vmul.f32 v38, v7;
	v18 =	vadd.f32 v22, v18;
	v8 =	vadd.f32 v61, v59  }
0xad: {  	v35 =	vmul.f32 v53, v15;
	v33 =	vadd.f32 v62, v60;
	v16 =	vadd.f32 v23, v32  }
0xae: {  	v37 =	vmul.f32 v53, v14;
	v5 =	vadd.f32 v5, v12;
	v6 =	vadd.f32 v7, v6  }
0xaf: {  	v4 =	vmul.f32 v53, v4;
	v18 =	vadd.f32 v19, v18;
	v8 =	vadd.f32 v11, v8  }
0xb0: {  	v34 =	vmul.f32 v34, v34;
	v38 =	vadd.f32 v35, v16;
	v5 =	vadd.f32 v30, v5  }
0xb1: {  	v7 =	vmul.f32 v58, v58;
	v9 =	vadd.f32 v37, v33;
	v4 =	vadd.f32 v4, v6  }
0xb2: {  	v8 =	vsub.f32 v8, v18;
	v5 =	vsub.f32 v5, v38  }
0xb3: {  	v6 =	vmul.f32 v63, v63;
	v7 =	vadd.f32 v7, v34  }
0xb4: {  	v4 =	vsub.f32 v4, v9;
	v8 =	vmul.f32 v8, v8;
	v5 =	vmul.f32 v5, v5;
	_ =	sdelay $0x1  }
0xb5: {  	v6 =	vadd.f32 v7, v6;
	v4 =	vmul.f32 v4, v4;
	v5 =	vadd.f32 v5, v8  }
0xb6: {  	v7 =	vmul.f32 v28, v27  }
0xb7: {  	v39 =	vshra.s32 v6, $0x1;
	v40 =	vmul.f32 $5.000000000e-01, v6;
	v4 =	vadd.f32 v5, v4  }
0xb8: {  	v5 =	vmul.f32 v28, v7;
	v7 =	vsub.s32 $0x5F3759DF, v39  }
0xb9: {  	v8 =	vmul.f32 v7, v40;
	v41 =	vshra.s32 v4, $0x1;
	v42 =	vmul.f32 $5.000000000e-01, v4  }
0xba: {  	v5 =	vsub.f32 $1.500000000e+00, v5;
	v12 =	vsub.s32 $0x5F3759DF, v41  }
0xbb: {  	v8 =	vmul.f32 v7, v8;
	v43 =	vmul.f32 v12, v42  }
0xbc: {  	v5 =	vmul.f32 v28, v5  }
0xbd: {  	v8 =	vsub.f32 $1.500000000e+00, v8;
	v15 =	vmul.f32 v12, v43  }
0xbe: {  	v44 =	vmul.f32 v5, v27  }
0xbf: {  	v7 =	vmul.f32 v7, v8;
	v45 =	vsub.f32 $1.500000000e+00, v15  }
0xc0: {  	v46 =	vmul.f32 v44, v5  }
0xc1: {  	v47 =	vmul.f32 v7, v40;
	v8 =	vmul.f32 v12, v45  }
0xc2: {  	v48 =	vmul.f32 v29, v26;
	v15 =	vsub.f32 $1.500000000e+00, v46  }
0xc3: {  	v16 =	vmul.f32 v47, v7;
	v49 =	vmul.f32 v8, v42  }
0xc4: {  	v17 =	vmul.f32 v48, v17;
	v5 =	vmul.f32 v15, v5  }
0xc5: {  	v50 =	vsub.f32 $1.500000000e+00, v16;
	v51 =	vmul.f32 v49, v8  }
0xc6: {  	v17 =	vmul.f32 v17, v48;
	v52 =	vmul.f32 v5, v27  }
0xc7: {  	v7 =	vmul.f32 v50, v7;
	v53 =	vsub.f32 $1.500000000e+00, v51  }
0xc8: {  	v54 =	vsub.f32 $1.500000000e+00, v17;
	v55 =	vmul.f32 v52, v5  }
0xc9: {  	v10 =	vmul.f32 v7, v40;
	v8 =	vmul.f32 v53, v8  }
0xca: {  	v12 =	vmul.f32 v54, v48  }
0xcb: {  	v56 =	vsub.f32 $1.500000000e+00, v55;
	v10 =	vmul.f32 v10, v7;
	v14 =	vmul.f32 v8, v42  }
0xcc: {  	v12 =	vmul.f32 v12, v13  }
0xcd: {  	v5 =	vmul.f32 v56, v5;
	v10 =	vsub.f32 $1.500000000e+00, v10;
	v57 =	vmul.f32 v14, v8  }
0xce: {  	v58 =	vmul.f32 v18, v18;
	v59 =	vmul.f32 v38, v38;
	v12 =	vadd.f32 v12, v25  }
0xcf: {  	v5 =	vmul.f32 v5, v24;
	v7 =	vmul.f32 v10, v7;
	v60 =	vsub.f32 $1.500000000e+00, v57  }
0xd0: {  	v62 =	vmul.f32 v9, v9;
	v61 =	vadd.f32 v59, v58  }
0xd1: {  	v5 =	vadd.f32 v5, v12;
	v6 =	vmul.f32 v7, v6;
	v7 =	vmul.f32 v60, v8  }
0xd2: {  	[tilespmem:s16+$0x3800] =	vst v18  }
0xd3: {  	[tilespmem:s16+$0x4000] =	vst v9;
	v63 =	vadd.f32 v61, v62;
	v5 =	vadd.f32 v6, v5;
	v4 =	vmul.f32 v7, v4  }
0xd4: {  	[tilespmem:s16+$0x3C00] =	vst v38  }
0xd5: {  	[tilespmem:s16+$0x4400] =	vst v63;
	s16 =	simm.f32 $0.0e+00;
	v4 =	vadd.f32 v4, v5  }
.LBB2_6:
0xd6: {  	s17 =	sshll.u32 s15, $0x4  }
0xd7: {  	v6 =	vld [tilespmem:s17+$0x3800];
	_ =	sdelay $0x3  }
0xd8: {  	v7 =	vld [tilespmem:s17+$0x3C00]  }
0xd9: {  	v29 =	vbroadcast v6, $0x0  }
0xda: {  	v26 =	vbroadcast v6, $0x1;
	v27 =	vbroadcast v6, $0x2  }
0xdb: {  	v28 =	vbroadcast v6, $0x3;
	v22 =	vbroadcast v6, $0x4  }
0xdc: {  	v9 =	vld [tilespmem:s17+$0x4000];
	v23 =	vbroadcast v6, $0x5;
	v25 =	vbroadcast v6, $0x6  }
0xdd: {  	v30 =	vbroadcast v6, $0x7;
	v24 =	vbroadcast v7, $0x0  }
0xde: {  	v21 =	vbroadcast v7, $0x1;
	v20 =	vbroadcast v7, $0x2  }
0xdf: {  	s18 =	simm.s32 $0x0;
	v19 =	vbroadcast v7, $0x3;
	v16 =	vbroadcast v7, $0x4  }
0xe0: {  	v5 =	vld [tilespmem:s18+$0x1800];
	v17 =	vbroadcast v7, $0x5;
	v12 =	vbroadcast v7, $0x6  }
0xe1: {  	v31 =	vbroadcast v7, $0x7;
	v18 =	vbroadcast v9, $0x0  }
0xe2: {  	v13 =	vbroadcast v9, $0x1;
	v14 =	vbroadcast v9, $0x2  }
0xe3: {  	v36 =	vld [tilespmem:s18+$0x2000];
	v8 =	vbroadcast v9, $0x3;
	v15 =	vbroadcast v9, $0x4  }
0xe4: {  	v10 =	vbroadcast v9, $0x5;
	v11 =	vbroadcast v9, $0x6  }
0xe5: {  	v35 =	vld [tilespmem:s18+$0x2800];
	v32 =	vbroadcast v9, $0x7;
	v37 =	vmul.f32 v5, v29  }
0xe6: {  	v38 =	vmul.f32 v5, v30;
	v39 =	vmul.f32 v5, v26  }
0xe7: {  	v33 =	vld [tilespmem:s18+$0x3000];
	v40 =	vmul.f32 v5, v27;
	v41 =	vmul.f32 v5, v28  }
0xe8: {  	v42 =	vmul.f32 v36, v31;
	v43 =	vmul.f32 v5, v22  }
0xe9: {  	v44 =	vmul.f32 v5, v23;
	v5 =	vmul.f32 v5, v25  }
0xea: {  	v59 =	vmul.f32 v35, v32;
	v45 =	vmul.f32 v36, v24  }
0xeb: {  	v34 =	vimm.f32 $+Inf;
	v46 =	vmul.f32 v36, v21;
	v60 =	vmul.f32 v36, v20  }
0xec: {  	v49 =	vmul.f32 v36, v19;
	v38 =	vadd.f32 v33, v38;
	v37 =	vadd.f32 v33, v37  }
0xed: {  	v61 =	vmul.f32 v36, v16;
	v39 =	vadd.f32 v33, v39;
	v40 =	vadd.f32 v33, v40  }
0xee: {  	v62 =	vmul.f32 v36, v17;
	v41 =	vadd.f32 v33, v41;
	v43 =	vadd.f32 v33, v43  }
0xef: {  	v36 =	vmul.f32 v36, v12;
	v48 =	vadd.f32 v33, v44;
	v5 =	vadd.f32 v33, v5  }
0xf0: {  	v63 =	vmul.f32 v35, v18;
	v38 =	vadd.f32 v38, v42;
	v37 =	vadd.f32 v37, v45  }
0xf1: {  	v50 =	vmul.f32 v35, v14;
	v47 =	vadd.f32 v39, v46;
	v44 =	vadd.f32 v40, v60  }
0xf2: {  	v51 =	vmul.f32 v35, v8;
	v46 =	vadd.f32 v41, v49;
	v43 =	vadd.f32 v43, v61  }
0xf3: {  	v49 =	vmul.f32 v35, v13;
	v45 =	vadd.f32 v48, v62;
	v42 =	vadd.f32 v5, v36  }
0xf4: {  	v39 =	vimm.f32 $+Inf;
	v36 =	vimm.f32 $+Inf;
	v38 =	vadd.f32 v38, v59  }
0xf5: {  	v40 =	vimm.f32 $+Inf;
	v41 =	vimm.f32 $+Inf;
	v48 =	vadd.f32 v37, v63  }
0xf6: {  	s18 =	simm.s32 $0x10;
	v5 =	vld [tilespmem:s17+$0x4400];
	s17 =	simm.s32 $0x80;
	v37 =	vimm.f32 $+Inf;
	v33 =	vmin.f32 v34, v38;
	v38 =	vimm.f32 $+Inf  }
.LBB2_7:
0xf7: {  	p0 =	sne.s32 s17, $0x1FC0;
	v52 =	vld [tilespmem:s18+$0x1800];
	v47 =	vadd.f32 v47, v49;
	v49 =	vmul.f32 v35, v15;
	v53 =	vmul.f32 v35, v10  }
0xf8: {  	v35 =	vmul.f32 v35, v11;
	v54 =	vld [tilespmem:s18+$0x2000];
	v44 =	vadd.f32 v44, v50;
	v46 =	vadd.f32 v46, v51  }
0xf9: {  	v34 =	vmin.f32 v34, v48;
	v50 =	vld [tilespmem:s18+$0x3000];
	v43 =	vadd.f32 v43, v49;
	v45 =	vadd.f32 v45, v53  }
0xfa: {  	v38 =	vmin.f32 v38, v47;
	v42 =	vadd.f32 v42, v35;
	v39 =	vmin.f32 v39, v44  }
0xfb: {  	v36 =	vmin.f32 v36, v46;
	v35 =	vld [tilespmem:s18+$0x2800];
	v40 =	vmin.f32 v40, v43;
	v41 =	vmin.f32 v41, v45  }
0xfc: {  	v37 =	vmin.f32 v37, v42;
	v43 =	vmul.f32 v52, v29;
	v44 =	vmul.f32 v52, v30  }
0xfd: {  	v42 =	vmul.f32 v52, v26;
	v45 =	vmul.f32 v52, v27  }
0xfe: {  	v46 =	vmul.f32 v52, v28;
	v47 =	vmul.f32 v54, v31;
	v44 =	vadd.f32 v50, v44  }
0xff: {  	v48 =	vmul.f32 v52, v22;
	v49 =	vmul.f32 v52, v23;
	v43 =	vadd.f32 v50, v43  }
0x100: {  	v51 =	vmul.f32 v52, v25;
	v44 =	vadd.f32 v44, v47;
	v47 =	vmul.f32 v35, v32  }
0x101: {  	v52 =	vmul.f32 v54, v24;
	v42 =	vadd.f32 v50, v42;
	v45 =	vadd.f32 v50, v45  }
0x102: {  	v53 =	vmul.f32 v54, v21;
	v46 =	vadd.f32 v50, v46;
	v44 =	vadd.f32 v44, v47  }
0x103: {  	v55 =	vmul.f32 v54, v20;
	v48 =	vadd.f32 v50, v48;
	v56 =	vadd.f32 v50, v49  }
0x104: {  	v49 =	vmul.f32 v54, v19;
	v50 =	vadd.f32 v50, v51;
	v33 =	vmin.f32 v33, v44  }
.Ltmp2:
0x105: {  	v51 =	vadd.f32 v43, v52;
	v43 =	vmul.f32 v54, v16;
	v52 =	vmul.f32 v54, v17;
	(pc) =	sbr.rel @p0 .LBB2_7-.Ltmp2, $4  }
0x106: {  	v47 =	vadd.f32 v42, v53;
	v42 =	vmul.f32 v54, v12;
	v44 =	vadd.f32 v45, v55  }
0x107: {  	v46 =	vadd.f32 v46, v49;
	v53 =	vmul.f32 v35, v18;
	v43 =	vadd.f32 v48, v43  }
0x108: {  	v49 =	vmul.f32 v35, v13;
	v45 =	vadd.f32 v56, v52;
	v42 =	vadd.f32 v50, v42  }
0x109: {  	s18 =	sshra.s32 s17, $0x2;
	s17 =	sadd.s32 $0x40, s17;
	v48 =	vadd.f32 v51, v53;
	v50 =	vmul.f32 v35, v14;
	v51 =	vmul.f32 v35, v8  }
0x10a: {  	v58 =	vmul.f32 v35, v15  }
0x10b: {  	v52 =	vld [tilespmem:s18+$0x1800];
	v47 =	vadd.f32 v47, v49;
	v59 =	vmul.f32 v35, v11  }
0x10c: {  	v53 =	vmul.f32 v35, v10;
	v44 =	vadd.f32 v44, v50;
	v43 =	vadd.f32 v43, v58  }
0x10d: {  	v54 =	vld [tilespmem:s18+$0x2000];
	v47 =	vmin.f32 v38, v47;
	v35 =	vadd.f32 v42, v59;
	v38 =	vbroadcast v6, $0x8  }
0x10e: {  	v44 =	vmin.f32 v39, v44;
	v39 =	vbroadcast v7, $0x8;
	v62 =	vmin.f32 v40, v43  }
0x10f: {  	v37 =	vmin.f32 v37, v35;
	v40 =	vbroadcast v9, $0x8;
	v35 =	vbroadcast v9, $0x9  }
0x110: {  	v29 =	vmul.f32 v52, v29;
	v30 =	vmul.f32 v52, v30  }
0x111: {  	v26 =	vmul.f32 v52, v26;
	v27 =	vmul.f32 v52, v27  }
0x112: {  	v28 =	vmul.f32 v52, v28;
	v31 =	vmul.f32 v54, v31  }
0x113: {  	v61 =	vld [tilespmem:s18+$0x2800];
	v22 =	vmul.f32 v52, v22;
	v23 =	vmul.f32 v52, v23  }
0x114: {  	v60 =	vld [tilespmem:s18+$0x3000];
	v46 =	vadd.f32 v46, v51;
	v25 =	vmul.f32 v52, v25;
	v24 =	vmul.f32 v54, v24  }
0x115: {  	v34 =	vmin.f32 v34, v48;
	v21 =	vmul.f32 v54, v21;
	v20 =	vmul.f32 v54, v20  }
0x116: {  	v45 =	vadd.f32 v45, v53;
	v19 =	vmul.f32 v54, v19;
	v16 =	vmul.f32 v54, v16  }
0x117: {  	v36 =	vmin.f32 v36, v46;
	v17 =	vmul.f32 v54, v17;
	v12 =	vmul.f32 v54, v12  }
0x118: {  	v41 =	vmin.f32 v41, v45;
	v18 =	vmul.f32 v61, v18;
	v13 =	vmul.f32 v61, v13  }
0x119: {  	v14 =	vmul.f32 v61, v14;
	v30 =	vadd.f32 v60, v30;
	v29 =	vadd.f32 v60, v29  }
0x11a: {  	v8 =	vmul.f32 v61, v8;
	v26 =	vadd.f32 v60, v26;
	v27 =	vadd.f32 v60, v27  }
0x11b: {  	v15 =	vmul.f32 v61, v15;
	v28 =	vadd.f32 v60, v28;
	v22 =	vadd.f32 v60, v22  }
0x11c: {  	v10 =	vmul.f32 v61, v10;
	v23 =	vadd.f32 v60, v23;
	v25 =	vadd.f32 v60, v25  }
0x11d: {  	v11 =	vmul.f32 v61, v11;
	v30 =	vadd.f32 v30, v31;
	v24 =	vadd.f32 v29, v24  }
0x11e: {  	v31 =	vmul.f32 v61, v32;
	v21 =	vadd.f32 v26, v21;
	v20 =	vadd.f32 v27, v20  }
0x11f: {  	v19 =	vadd.f32 v28, v19;
	v16 =	vadd.f32 v22, v16;
	v32 =	vbroadcast v6, $0x9  }
0x120: {  	v17 =	vadd.f32 v23, v17;
	v27 =	vbroadcast v6, $0xA;
	v22 =	vbroadcast v6, $0xB  }
0x121: {  	v12 =	vadd.f32 v25, v12;
	v28 =	vbroadcast v7, $0xA;
	v29 =	vbroadcast v9, $0xA  }
0x122: {  	v25 =	vbroadcast v9, $0xB;
	v30 =	vadd.f32 v30, v31;
	v23 =	vadd.f32 v24, v18  }
0x123: {  	v21 =	vadd.f32 v21, v13;
	v20 =	vadd.f32 v20, v14;
	v18 =	vbroadcast v6, $0xC  }
0x124: {  	v24 =	vadd.f32 v19, v8;
	v13 =	vbroadcast v6, $0xD;
	v8 =	vbroadcast v6, $0xE  }
0x125: {  	s17 =	simm.s32 $0x0;
	v6 =	vbroadcast v6, $0xF;
	v15 =	vadd.f32 v16, v15;
	v19 =	vbroadcast v7, $0xC  }
0x126: {  	v26 =	vld [tilespmem:s17+$0x2000];
	v17 =	vadd.f32 v17, v10;
	v14 =	vbroadcast v7, $0xD;
	v10 =	vbroadcast v7, $0xE  }
0x127: {  	v12 =	vadd.f32 v12, v11;
	v16 =	vbroadcast v9, $0xD;
	v11 =	vbroadcast v9, $0xE  }
0x128: {  	v54 =	vmin.f32 v34, v23;
	v34 =	vbroadcast v7, $0x9;
	v56 =	vmin.f32 v47, v21;
	v21 =	vld [tilespmem:s17+$0x1800]  }
0x129: {  	v33 =	vmin.f32 v33, v30;
	v23 =	vbroadcast v7, $0xB;
	v7 =	vbroadcast v7, $0xF  }
0x12a: {  	v55 =	vmin.f32 v44, v20;
	v20 =	vbroadcast v9, $0xC;
	v9 =	vbroadcast v9, $0xF  }
0x12b: {  	v49 =	vmin.f32 v62, v15;
	v15 =	vld [tilespmem:s17+$0x2800];
	v58 =	vmul.f32 v26, v39;
	v60 =	vmul.f32 v26, v28  }
0x12c: {  	v51 =	vmin.f32 v36, v24;
	v24 =	vld [tilespmem:s17+$0x3000];
	v46 =	vmul.f32 v26, v7;
	v59 =	vmul.f32 v26, v34  }
0x12d: {  	v47 =	vmin.f32 v37, v12;
	v62 =	vmul.f32 v26, v23;
	v12 =	vmul.f32 v21, v38  }
0x12e: {  	v48 =	vmin.f32 v41, v17;
	v17 =	vmul.f32 v21, v6;
	v30 =	vmul.f32 v21, v32  }
0x12f: {  	v42 =	vimm.f32 $+Inf;
	v31 =	vmul.f32 v21, v27;
	v63 =	vmul.f32 v21, v22  }
0x130: {  	v37 =	vimm.f32 $+Inf;
	v53 =	vmul.f32 v21, v13;
	v57 =	vmul.f32 v15, v9  }
0x131: {  	v52 =	vmul.f32 v15, v35;
	v44 =	vmul.f32 v15, v25;
	v17 =	vadd.f32 v24, v17  }
0x132: {  	v50 =	vadd.f32 v24, v12;
	v12 =	vmul.f32 v21, v18;
	v30 =	vadd.f32 v24, v30  }
0x133: {  	v21 =	vmul.f32 v21, v8;
	v31 =	vadd.f32 v24, v31;
	v36 =	vadd.f32 v24, v63  }
0x134: {  	v43 =	vadd.f32 v24, v53;
	v63 =	vmul.f32 v26, v14;
	v17 =	vadd.f32 v17, v46  }
0x135: {  	v61 =	vadd.f32 v24, v12;
	v21 =	vadd.f32 v24, v21;
	v24 =	vmul.f32 v26, v19  }
0x136: {  	v45 =	vadd.f32 v31, v60;
	v26 =	vmul.f32 v26, v10;
	v31 =	vmul.f32 v15, v40  }
0x137: {  	v41 =	vadd.f32 v36, v62;
	v46 =	vmul.f32 v15, v29;
	v17 =	vadd.f32 v17, v57  }
0x138: {  	v36 =	vadd.f32 v61, v24;
	v24 =	vadd.f32 v21, v26;
	v26 =	vimm.f32 $+Inf  }
0x139: {  	v21 =	vimm.f32 $+Inf;
	v12 =	vmin.f32 v42, v17;
	v17 =	vadd.f32 v50, v58  }
0x13a: {  	v50 =	vadd.f32 v30, v59;
	v30 =	vadd.f32 v43, v63;
	v43 =	vimm.f32 $+Inf  }
0x13b: {  	s20 =	simm.s32 $0x10;
	s17 =	simm.s32 $0x80;
	v53 =	vadd.f32 v17, v31;
	v31 =	vimm.f32 $+Inf;
	v17 =	vimm.f32 $+Inf  }
.LBB2_9:
0x13c: {  	p0 =	sne.s32 s17, $0x1FC0;
	v57 =	vld [tilespmem:s20+$0x1800];
	v50 =	vadd.f32 v50, v52;
	v52 =	vmul.f32 v15, v20;
	v58 =	vmul.f32 v15, v16  }
0x13d: {  	v15 =	vmul.f32 v15, v11;
	v59 =	vld [tilespmem:s20+$0x2000];
	v45 =	vadd.f32 v45, v46;
	v41 =	vadd.f32 v41, v44  }
0x13e: {  	v42 =	vmin.f32 v42, v53;
	v44 =	vld [tilespmem:s20+$0x3000];
	v36 =	vadd.f32 v36, v52;
	v30 =	vadd.f32 v30, v58  }
0x13f: {  	v43 =	vmin.f32 v43, v50;
	v24 =	vadd.f32 v24, v15;
	v37 =	vmin.f32 v37, v45  }
0x140: {  	v31 =	vmin.f32 v31, v41;
	v15 =	vld [tilespmem:s20+$0x2800];
	v26 =	vmin.f32 v26, v36;
	v21 =	vmin.f32 v21, v30  }
0x141: {  	v17 =	vmin.f32 v17, v24;
	v30 =	vmul.f32 v57, v38;
	v36 =	vmul.f32 v57, v6  }
0x142: {  	v24 =	vmul.f32 v57, v32;
	v41 =	vmul.f32 v57, v27  }
0x143: {  	v45 =	vmul.f32 v57, v22;
	v46 =	vmul.f32 v59, v7;
	v36 =	vadd.f32 v44, v36  }
0x144: {  	v50 =	vmul.f32 v57, v18;
	v52 =	vmul.f32 v57, v13;
	v30 =	vadd.f32 v44, v30  }
0x145: {  	v53 =	vmul.f32 v57, v8;
	v36 =	vadd.f32 v36, v46;
	v46 =	vmul.f32 v15, v9  }
0x146: {  	v57 =	vmul.f32 v59, v39;
	v24 =	vadd.f32 v44, v24;
	v41 =	vadd.f32 v44, v41  }
0x147: {  	v58 =	vmul.f32 v59, v34;
	v60 =	vadd.f32 v44, v45;
	v36 =	vadd.f32 v36, v46  }
0x148: {  	v45 =	vmul.f32 v59, v28;
	v61 =	vadd.f32 v44, v52;
	v46 =	vadd.f32 v44, v50  }
0x149: {  	v52 =	vmul.f32 v59, v23;
	v44 =	vadd.f32 v44, v53;
	v12 =	vmin.f32 v12, v36  }
.Ltmp3:
0x14a: {  	v53 =	vadd.f32 v30, v57;
	v30 =	vmul.f32 v59, v19;
	v57 =	vmul.f32 v59, v14;
	(pc) =	sbr.rel @p0 .LBB2_9-.Ltmp3, $4  }
0x14b: {  	v45 =	vadd.f32 v41, v45;
	v50 =	vadd.f32 v24, v58;
	v24 =	vmul.f32 v59, v10  }
0x14c: {  	v41 =	vadd.f32 v60, v52;
	v58 =	vmul.f32 v15, v40;
	v36 =	vadd.f32 v46, v30  }
0x14d: {  	v52 =	vmul.f32 v15, v35;
	v30 =	vadd.f32 v61, v57;
	v24 =	vadd.f32 v44, v24  }
0x14e: {  	s20 =	sshra.s32 s17, $0x2;
	s17 =	sadd.s32 $0x40, s17;
	v53 =	vadd.f32 v53, v58;
	v46 =	vmul.f32 v15, v29;
	v44 =	vmul.f32 v15, v25  }
0x14f: {  	(xrf0) =	vmin.scan.msk.f32 $0xffff, v54;
	_ =	sdelay $0x5  }
0x150: {  	v54, _, _ =	vpop (xrf0)  }
0x151: {  	(v2sf) =	vpush v54, $0xF  }
0x152: {  	(v2sf) =	vpush v5, $0x0;
	_ =	sdelay $0x7  }
0x153: {  	(xrf0) =	vmin.scan.msk.f32 $0xffff, v56;
	_ =	sdelay $0x5  }
0x154: {  	v62, _, _ =	vpop (xrf0);
	s17 =	spop (v2sf)  }
0x155: {  	s18 =	spop (v2sf);
	(v2sf) =	vpush v62, $0xF  }
0x156: {  	(xrf0) =	vmin.scan.msk.f32 $0xffff, v55;
	s17 =	sadd.f32 s17, s18;
	(v2sf) =	vpush v5, $0x1;
	_ =	sdelay $0x1  }
0x157: {  	s17 =	smax.f32 s17, $0.0e+00  }
0x158: {  	s29 =	sshra.s32 s17, $0x1;
	s19 =	smul.f32 $5.000000000e-01, s17  }
0x159: {  	s18 =	ssub.s32 $0x5F3759DF, s29  }
0x15a: {  	s21 =	smul.f32 s18, s19  }
0x15b: {  	v63, _, _ =	vpop (xrf0)  }
0x15c: {  	(v2sf) =	vpush v63, $0xF;
	s21 =	smul.f32 s18, s21  }
0x15d: {  	(v2sf) =	vpush v5, $0x2  }
0x15e: {  	s21 =	ssub.f32 $1.500000000e+00, s21;
	_ =	sdelay $0x1  }
0x15f: {  	s18 =	smul.f32 s18, s21;
	_ =	sdelay $0x1  }
0x160: {  	s21 =	smul.f32 s18, s19  }
0x161: {  	s22 =	spop (v2sf)  }
0x162: {  	s21 =	smul.f32 s21, s18;
	s23 =	spop (v2sf)  }
0x163: {  	s30 =	sadd.f32 s22, s23  }
0x164: {  	(xrf0) =	vmin.scan.msk.f32 $0xffff, v51;
	s21 =	ssub.f32 $1.500000000e+00, s21;
	_ =	sdelay $0x1  }
0x165: {  	s21 =	smul.f32 s21, s18;
	s18 =	smax.f32 s30, $0.0e+00  }
0x166: {  	s31 =	sshra.s32 s18, $0x1;
	s0 =	smul.f32 $5.000000000e-01, s18  }
0x167: {  	s19 =	smul.f32 s21, s19;
	s24 =	ssub.s32 $0x5F3759DF, s31  }
0x168: {  	s25 =	spop (v2sf);
	s22 =	smul.f32 s24, s0  }
0x169: {  	v51, _, _ =	vpop (xrf0);
	s26 =	spop (v2sf);
	s19 =	smul.f32 s19, s21  }
0x16a: {  	(v2sf) =	vpush v51, $0xF;
	s25 =	sadd.f32 s25, s26;
	s22 =	smul.f32 s24, s22  }
0x16b: {  	(v2sf) =	vpush v5, $0x3;
	s19 =	ssub.f32 $1.500000000e+00, s19  }
0x16c: {  	(xrf0) =	vmin.scan.msk.f32 $0xffff, v49;
	s1 =	ssub.f32 $1.500000000e+00, s22  }
0x16d: {  	s22 =	smax.f32 s25, $0.0e+00;
	s19 =	smul.f32 s19, s21  }
0x16e: {  	s25 =	sshra.s32 s22, $0x1;
	s3 =	smul.f32 $5.000000000e-01, s22  }
0x16f: {  	s21 =	smul.f32 s24, s1;
	s10 =	ssub.s32 $0x5F3759DF, s25  }
0x170: {  	s25 =	smul.f32 s10, s3  }
0x171: {  	s28 =	smul.f32 s21, s0  }
0x172: {  	v49, _, _ =	vpop (xrf0);
	s25 =	smul.f32 s10, s25  }
0x173: {  	(v2sf) =	vpush v49, $0xF;
	s28 =	smul.f32 s28, s21  }
0x174: {  	(v2sf) =	vpush v5, $0x4;
	s25 =	ssub.f32 $1.500000000e+00, s25  }
0x175: {  	s17 =	smul.f32 s19, s17;
	s11 =	ssub.f32 $1.500000000e+00, s28  }
0x176: {  	s24 =	smul.f32 s10, s25  }
0x177: {  	s19 =	smul.f32 s11, s21  }
0x178: {  	s12 =	smul.f32 s24, s3  }
0x179: {  	s13 =	spop (v2sf);
	s23 =	smul.f32 s19, s0  }
0x17a: {  	s29 =	spop (v2sf);
	s21 =	smul.f32 s12, s24  }
0x17b: {  	s30 =	sadd.f32 s13, s29;
	s23 =	smul.f32 s23, s19  }
0x17c: {  	s21 =	ssub.f32 $1.500000000e+00, s21  }
0x17d: {  	(xrf0) =	vmin.scan.msk.f32 $0xffff, v48;
	s23 =	ssub.f32 $1.500000000e+00, s23  }
0x17e: {  	s24 =	smul.f32 s21, s24  }
0x17f: {  	s21 =	smax.f32 s30, $0.0e+00;
	s19 =	smul.f32 s23, s19  }
0x180: {  	s0 =	sshra.s32 s21, $0x1;
	s1 =	smul.f32 $5.000000000e-01, s21  }
0x181: {  	s31 =	smul.f32 s24, s3;
	s25 =	ssub.s32 $0x5F3759DF, s0  }
0x182: {  	s29 =	spop (v2sf);
	s3 =	smul.f32 s25, s1  }
0x183: {  	v48, _, _ =	vpop (xrf0);
	s30 =	spop (v2sf);
	s23 =	smul.f32 s31, s24  }
0x184: {  	(v2sf) =	vpush v48, $0xF;
	s29 =	sadd.f32 s29, s30;
	s28 =	smul.f32 s25, s3  }
0x185: {  	(v2sf) =	vpush v5, $0x5;
	s23 =	ssub.f32 $1.500000000e+00, s23  }
0x186: {  	(xrf0) =	vmin.scan.msk.f32 $0xffff, v47;
	s28 =	ssub.f32 $1.500000000e+00, s28  }
0x187: {  	s24 =	smul.f32 s23, s24;
	s23 =	smax.f32 s29, $0.0e+00  }
0x188: {  	s29 =	sshra.s32 s23, $0x1;
	s10 =	smul.f32 $5.000000000e-01, s23  }
0x189: {  	s25 =	smul.f32 s25, s28;
	s11 =	ssub.s32 $0x5F3759DF, s29  }
0x18a: {  	s29 =	smul.f32 s11, s10  }
0x18b: {  	s31 =	smul.f32 s25, s1  }
0x18c: {  	v47, _, _ =	vpop (xrf0);
	s29 =	smul.f32 s11, s29  }
0x18d: {  	(v2sf) =	vpush v47, $0xF;
	s31 =	smul.f32 s31, s25  }
0x18e: {  	(v2sf) =	vpush v5, $0x6;
	s19 =	smul.f32 s19, s18;
	s29 =	ssub.f32 $1.500000000e+00, s29  }
0x18f: {  	s18 =	smul.f32 s24, s22;
	s12 =	ssub.f32 $1.500000000e+00, s31  }
0x190: {  	s13 =	smul.f32 s11, s29  }
0x191: {  	s22 =	smul.f32 s12, s25  }
0x192: {  	s29 =	smul.f32 s13, s10  }
0x193: {  	v51 =	vld [tilespmem:s20+$0x1800];
	s31 =	spop (v2sf);
	s26 =	smul.f32 s22, s1  }
0x194: {  	v49 =	vld [tilespmem:s20+$0x3000];
	s1 =	spop (v2sf);
	s25 =	smul.f32 s29, s13  }
0x195: {  	v48 =	vld [tilespmem:s20+$0x2000];
	s3 =	sadd.f32 s31, s1;
	s26 =	smul.f32 s26, s22  }
0x196: {  	s25 =	ssub.f32 $1.500000000e+00, s25  }
0x197: {  	v47 =	vld [tilespmem:s20+$0x2800];
	s0 =	ssub.f32 $1.500000000e+00, s26  }
0x198: {  	v38 =	vmul.f32 v51, v38;
	s24 =	smul.f32 s25, s13  }
0x199: {  	s20 =	smul.f32 s0, s22;
	s22 =	smax.f32 s3, $0.0e+00  }
0x19a: {  	(xrf0) =	vmin.scan.msk.f32 $0xffff, v33;
	v38 =	vadd.f32 v49, v38;
	v39 =	vmul.f32 v48, v39;
	s25 =	sshra.s32 s22, $0x1;
	s28 =	smul.f32 $5.000000000e-01, s22  }
0x19b: {  	s10 =	smul.f32 s24, s10;
	s11 =	ssub.s32 $0x5F3759DF, s25  }
0x19c: {  	v56 =	vadd.f32 v38, v39;
	v57 =	vmul.f32 v47, v40;
	s12 =	spop (v2sf);
	s25 =	smul.f32 s11, s28  }
0x19d: {  	s13 =	spop (v2sf);
	s26 =	smul.f32 s10, s24  }
0x19e: {  	v33 =	vadd.f32 v56, v57;
	s30 =	sadd.f32 s12, s13;
	s25 =	smul.f32 s11, s25  }
0x19f: {  	v58 =	vmin.f32 v42, v53;
	s26 =	ssub.f32 $1.500000000e+00, s26  }
0x1a0: {  	v59, _, _ =	vpop (xrf0);
	v33 =	vmin.f32 v58, v33;
	s0 =	ssub.f32 $1.500000000e+00, s25  }
0x1a1: {  	(xrf0) =	vmin.scan.msk.f32 $0xffff, v33;
	(v2sf) =	vpush v59, $0xF;
	s25 =	smax.f32 s30, $0.0e+00;
	s24 =	smul.f32 s26, s24  }
0x1a2: {  	(v2sf) =	vpush v5, $0x7;
	s30 =	sshra.s32 s25, $0x1;
	s1 =	smul.f32 $5.000000000e-01, s25  }
0x1a3: {  	s26 =	smul.f32 s11, s0;
	s3 =	ssub.s32 $0x5F3759DF, s30  }
0x1a4: {  	s30 =	smul.f32 s3, s1  }
0x1a5: {  	v32 =	vmul.f32 v51, v32;
	s0 =	smul.f32 s26, s28  }
0x1a6: {  	s30 =	smul.f32 s3, s30  }
0x1a7: {  	v32 =	vadd.f32 v49, v32;
	v60 =	vmul.f32 v48, v34;
	v61, _, _ =	vpop (xrf0);
	s0 =	smul.f32 s0, s26  }
0x1a8: {  	(v2sf) =	vpush v61, $0xF;
	s20 =	smul.f32 s20, s21;
	s30 =	ssub.f32 $1.500000000e+00, s30  }
0x1a9: {  	v32 =	vadd.f32 v32, v60;
	v62 =	vmul.f32 v47, v35;
	(v2sf) =	vpush v5, $0x8;
	s21 =	smul.f32 s24, s23;
	s0 =	ssub.f32 $1.500000000e+00, s0  }
0x1aa: {  	v63 =	vadd.f32 v50, v52;
	s10 =	smul.f32 s3, s30  }
0x1ab: {  	v32 =	vadd.f32 v32, v62;
	s0 =	smul.f32 s0, s26  }
0x1ac: {  	v38 =	vmin.f32 v43, v63;
	s11 =	smul.f32 s10, s1  }
0x1ad: {  	v32 =	vmin.f32 v38, v32;
	s26 =	smul.f32 s0, s28  }
0x1ae: {  	(xrf0) =	vmin.scan.msk.f32 $0xffff, v32;
	s24 =	smul.f32 s11, s10  }
0x1af: {  	s26 =	smul.f32 s26, s0  }
0x1b0: {  	s12 =	spop (v2sf);
	s24 =	ssub.f32 $1.500000000e+00, s24  }
0x1b1: {  	s13 =	spop (v2sf);
	s26 =	ssub.f32 $1.500000000e+00, s26  }
0x1b2: {  	s30 =	sadd.f32 s12, s13;
	s23 =	smul.f32 s24, s10  }
0x1b3: {  	s0 =	smul.f32 s26, s0  }
0x1b4: {  	v32, _, _ =	vpop (xrf0);
	s24 =	smax.f32 s30, $0.0e+00;
	s31 =	smul.f32 s23, s1  }
0x1b5: {  	v27 =	vmul.f32 v51, v27;
	(v2sf) =	vpush v32, $0xF;
	s29 =	smul.f32 $5.000000000e-01, s24;
	s1 =	sshra.s32 s24, $0x1  }
0x1b6: {  	(v2sf) =	vpush v5, $0x9;
	s3 =	ssub.s32 $0x5F3759DF, s1;
	s26 =	smul.f32 s31, s23  }
0x1b7: {  	v27 =	vadd.f32 v49, v27;
	v28 =	vmul.f32 v48, v28;
	s10 =	spop (v2sf);
	s28 =	smul.f32 s3, s29  }
0x1b8: {  	s1 =	spop (v2sf)  }
0x1b9: {  	v27 =	vadd.f32 v27, v28;
	v39 =	vmul.f32 v47, v29;
	s26 =	ssub.f32 $1.500000000e+00, s26;
	s28 =	smul.f32 s3, s28  }
0x1ba: {  	v40 =	vadd.f32 v45, v46;
	s1 =	sadd.f32 s10, s1  }
0x1bb: {  	v27 =	vadd.f32 v27, v39;
	s26 =	smul.f32 s26, s23;
	s11 =	ssub.f32 $1.500000000e+00, s28  }
0x1bc: {  	v42 =	vmin.f32 v37, v40;
	s28 =	smax.f32 s1, $0.0e+00;
	s23 =	smul.f32 s0, s22  }
0x1bd: {  	v27 =	vmin.f32 v42, v27;
	s1 =	sshra.s32 s28, $0x1;
	s31 =	smul.f32 $5.000000000e-01, s28  }
0x1be: {  	(xrf0) =	vmin.scan.msk.f32 $0xffff, v27;
	s30 =	smul.f32 s3, s11;
	s1 =	ssub.s32 $0x5F3759DF, s1  }
0x1bf: {  	s12 =	smul.f32 s1, s31  }
0x1c0: {  	s10 =	smul.f32 s30, s29  }
0x1c1: {  	v22 =	vmul.f32 v51, v22;
	s11 =	smul.f32 s1, s12  }
0x1c2: {  	s10 =	smul.f32 s10, s30  }
0x1c3: {  	v22 =	vadd.f32 v49, v22;
	v23 =	vmul.f32 v48, v23;
	s22 =	smul.f32 s26, s25;
	s13 =	ssub.f32 $1.500000000e+00, s11  }
0x1c4: {  	v45, _, _ =	vpop (xrf0);
	s25 =	spop (v2sf);
	s10 =	ssub.f32 $1.500000000e+00, s10  }
0x1c5: {  	v22 =	vadd.f32 v22, v23;
	v43 =	vmul.f32 v47, v25;
	(v2sf) =	vpush v45, $0xF;
	s26 =	spop (v2sf);
	s0 =	smul.f32 s1, s13  }
0x1c6: {  	v46 =	vadd.f32 v41, v44;
	s1 =	sadd.f32 s25, s26;
	s10 =	smul.f32 s10, s30  }
0x1c7: {  	v22 =	vadd.f32 v22, v43;
	(v2sf) =	vpush v5, $0xA;
	s30 =	smul.f32 s0, s31  }
0x1c8: {  	v50 =	vmin.f32 v31, v46;
	s26 =	smax.f32 s1, $0.0e+00;
	s3 =	smul.f32 s10, s29  }
0x1c9: {  	v22 =	vmin.f32 v50, v22;
	s29 =	smul.f32 $5.000000000e-01, s26  }
0x1ca: {  	(xrf0) =	vmin.scan.msk.f32 $0xffff, v22;
	s1 =	sshra.s32 s26, $0x1;
	s25 =	smul.f32 s30, s0  }
0x1cb: {  	s1 =	ssub.s32 $0x5F3759DF, s1;
	s11 =	smul.f32 s3, s10  }
0x1cc: {  	v18 =	vmul.f32 v51, v18;
	s12 =	smul.f32 s1, s29  }
0x1cd: {  	s25 =	ssub.f32 $1.500000000e+00, s25  }
0x1ce: {  	v18 =	vadd.f32 v49, v18;
	v19 =	vmul.f32 v48, v19;
	s11 =	ssub.f32 $1.500000000e+00, s11;
	s13 =	smul.f32 s1, s12  }
0x1cf: {  	v52 =	vmul.f32 v15, v20;
	s0 =	smul.f32 s25, s0  }
0x1d0: {  	v18 =	vadd.f32 v18, v19;
	v53 =	vmul.f32 v47, v20;
	v54, _, _ =	vpop (xrf0);
	s10 =	smul.f32 s11, s10;
	s12 =	ssub.f32 $1.500000000e+00, s13  }
0x1d1: {  	v22 =	vadd.f32 v36, v52;
	(v2sf) =	vpush v54, $0xF;
	s3 =	smul.f32 s0, s31  }
0x1d2: {  	v18 =	vadd.f32 v18, v53;
	(v2sf) =	vpush v5, $0xB;
	s1 =	smul.f32 s1, s12  }
0x1d3: {  	v55 =	vmin.f32 v26, v22;
	s13 =	smul.f32 s3, s0  }
0x1d4: {  	v18 =	vmin.f32 v55, v18;
	s31 =	spop (v2sf);
	s11 =	smul.f32 s1, s29  }
0x1d5: {  	(xrf0) =	vmin.scan.msk.f32 $0xffff, v18;
	s24 =	smul.f32 s10, s24;
	s30 =	ssub.f32 $1.500000000e+00, s13  }
0x1d6: {  	s3 =	spop (v2sf);
	s11 =	smul.f32 s11, s1  }
0x1d7: {  	s10 =	sadd.f32 s31, s3;
	s0 =	smul.f32 s30, s0  }
0x1d8: {  	s12 =	ssub.f32 $1.500000000e+00, s11  }
0x1d9: {  	s25 =	smul.f32 s0, s28;
	s28 =	smax.f32 s10, $0.0e+00  }
0x1da: {  	v13 =	vmul.f32 v51, v13;
	s10 =	sshra.s32 s28, $0x1;
	s11 =	smul.f32 $5.000000000e-01, s28  }
0x1db: {  	v18, _, _ =	vpop (xrf0);
	s0 =	smul.f32 s12, s1;
	s13 =	ssub.s32 $0x5F3759DF, s10  }
0x1dc: {  	v13 =	vadd.f32 v49, v13;
	v14 =	vmul.f32 v48, v14;
	(v2sf) =	vpush v18, $0xF;
	s10 =	smul.f32 s13, s11  }
0x1dd: {  	v56 =	vmul.f32 v15, v16;
	(v2sf) =	vpush v5, $0xC;
	s29 =	smul.f32 s0, s29  }
0x1de: {  	v13 =	vadd.f32 v13, v14;
	v57 =	vmul.f32 v47, v16;
	s10 =	smul.f32 s13, s10  }
0x1df: {  	v58 =	vadd.f32 v30, v56;
	s29 =	smul.f32 s29, s0  }
0x1e0: {  	v13 =	vadd.f32 v13, v57;
	s3 =	spop (v2sf);
	s10 =	ssub.f32 $1.500000000e+00, s10  }
0x1e1: {  	v59 =	vmin.f32 v21, v58;
	s12 =	spop (v2sf);
	s29 =	ssub.f32 $1.500000000e+00, s29  }
0x1e2: {  	v8 =	vmul.f32 v51, v8;
	v13 =	vmin.f32 v59, v13;
	s1 =	smul.f32 s13, s10;
	s13 =	sadd.f32 s3, s12  }
0x1e3: {  	(xrf0) =	vmin.scan.msk.f32 $0xffff, v13;
	s0 =	smul.f32 s29, s0  }
0x1e4: {  	v8 =	vadd.f32 v49, v8;
	v10 =	vmul.f32 v48, v10;
	s31 =	smul.f32 s1, s11;
	s29 =	smax.f32 s13, $0.0e+00  }
0x1e5: {  	v6 =	vmul.f32 v51, v6;
	v60 =	vmul.f32 v15, v11;
	s10 =	sshra.s32 s29, $0x1;
	s12 =	smul.f32 $5.000000000e-01, s29  }
0x1e6: {  	v8 =	vadd.f32 v8, v10;
	v61 =	vmul.f32 v47, v11;
	s30 =	smul.f32 s31, s1;
	s10 =	ssub.s32 $0x5F3759DF, s10  }
0x1e7: {  	v6 =	vadd.f32 v49, v6;
	v7 =	vmul.f32 v48, v7;
	v62 =	vadd.f32 v24, v60;
	s3 =	smul.f32 s10, s12  }
0x1e8: {  	v8 =	vadd.f32 v8, v61;
	s26 =	smul.f32 s0, s26;
	s13 =	ssub.f32 $1.500000000e+00, s30  }
0x1e9: {  	v6 =	vadd.f32 v6, v7;
	v11 =	vmin.f32 v17, v62;
	v63, _, _ =	vpop (xrf0);
	s31 =	smul.f32 s10, s3  }
0x1ea: {  	v7 =	vmul.f32 v47, v9;
	v8 =	vmin.f32 v11, v8;
	(v2sf) =	vpush v63, $0xF;
	s0 =	smul.f32 s13, s1  }
0x1eb: {  	(xrf0) =	vmin.scan.msk.f32 $0xffff, v8;
	s3 =	spop (v2sf);
	(v2sf) =	vpush v5, $0xD;
	s1 =	ssub.f32 $1.500000000e+00, s31  }
0x1ec: {  	v6 =	vadd.f32 v6, v7;
	s13 =	spop (v2sf);
	s11 =	smul.f32 s0, s11  }
0x1ed: {  	s31 =	sadd.f32 s3, s13;
	s1 =	smul.f32 s10, s1  }
0x1ee: {  	v6 =	vmin.f32 v12, v6;
	s11 =	smul.f32 s11, s0  }
0x1ef: {  	s31 =	smax.f32 s31, $0.0e+00;
	s3 =	smul.f32 s1, s12  }
0x1f0: {  	(xrf0) =	vmin.scan.msk.f32 $0xffff, v6;
	s10 =	sshra.s32 s31, $0x1;
	s13 =	smul.f32 $5.000000000e-01, s31  }
0x1f1: {  	v6, _, _ =	vpop (xrf0);
	s10 =	ssub.s32 $0x5F3759DF, s10;
	s11 =	ssub.f32 $1.500000000e+00, s11;
	s30 =	smul.f32 s3, s1  }
0x1f2: {  	(v2sf) =	vpush v6, $0xF;
	s3 =	smul.f32 s10, s13  }
0x1f3: {  	s0 =	smul.f32 s11, s0;
	s30 =	ssub.f32 $1.500000000e+00, s30  }
0x1f4: {  	(v2sf) =	vpush v5, $0xE;
	s3 =	smul.f32 s10, s3  }
0x1f5: {  	s1 =	smul.f32 s30, s1  }
0x1f6: {  	v6, _, _ =	vpop (xrf0);
	s28 =	smul.f32 s0, s28;
	s3 =	ssub.f32 $1.500000000e+00, s3  }
0x1f7: {  	(v2sf) =	vpush v6, $0xF;
	s11 =	smul.f32 s1, s12  }
0x1f8: {  	s0 =	smul.f32 s10, s3  }
0x1f9: {  	s10 =	spop (v2sf);
	s3 =	smul.f32 s11, s1  }
0x1fa: {  	(v2sf) =	vpush v5, $0xF;
	s30 =	spop (v2sf);
	s12 =	smul.f32 s0, s13  }
0x1fb: {  	s10 =	sadd.f32 s10, s30  }
0x1fc: {  	s3 =	ssub.f32 $1.500000000e+00, s3;
	s11 =	smul.f32 s12, s0  }
0x1fd: {  	s30 =	smax.f32 s10, $0.0e+00  }
0x1fe: {  	s1 =	smul.f32 s3, s1;
	s12 =	ssub.f32 $1.500000000e+00, s11  }
0x1ff: {  	s10 =	sshra.s32 s30, $0x1;
	s11 =	smul.f32 $5.000000000e-01, s30  }
0x200: {  	s17 =	sadd.f32 s17, s16;
	s3 =	ssub.s32 $0x5F3759DF, s10;
	s0 =	smul.f32 s12, s0  }
0x201: {  	s16 =	spop (v2sf);
	s10 =	smul.f32 s3, s11  }
0x202: {  	s12 =	sadd.f32 s19, s17;
	s13 =	smul.f32 s0, s13  }
0x203: {  	s17 =	spop (v2sf);
	s10 =	smul.f32 s3, s10  }
0x204: {  	s16 =	sadd.f32 s16, s17;
	s13 =	smul.f32 s13, s0  }
0x205: {  	s1 =	smul.f32 s1, s29;
	s10 =	ssub.f32 $1.500000000e+00, s10  }
0x206: {  	s19 =	spop (v2sf);
	s13 =	ssub.f32 $1.500000000e+00, s13  }
0x207: {  	s3 =	smul.f32 s3, s10;
	s10 =	smax.f32 s16, $0.0e+00  }
0x208: {  	s12 =	sadd.f32 s18, s12;
	s18 =	smul.f32 $5.000000000e-01, s10  }
0x209: {  	s17 =	spop (v2sf);
	s29 =	sshra.s32 s10, $0x1;
	s0 =	smul.f32 s13, s0  }
0x20a: {  	s13 =	smul.f32 s3, s11;
	s16 =	sadd.f32 s19, s17;
	s17 =	ssub.s32 $0x5F3759DF, s29  }
0x20b: {  	s12 =	sadd.f32 s20, s12;
	s20 =	smul.f32 s17, s18  }
0x20c: {  	s13 =	smul.f32 s13, s3;
	s16 =	smax.f32 s16, $0.0e+00  }
0x20d: {  	s12 =	sadd.f32 s21, s12;
	s29 =	sshra.s32 s16, $0x1;
	s21 =	smul.f32 $5.000000000e-01, s16  }
0x20e: {  	s19 =	smul.f32 s17, s20;
	s20 =	ssub.s32 $0x5F3759DF, s29  }
0x20f: {  	s12 =	sadd.f32 s23, s12;
	s29 =	smul.f32 s20, s21  }
0x210: {  	s0 =	smul.f32 s0, s31;
	s19 =	ssub.f32 $1.500000000e+00, s19  }
0x211: {  	s13 =	ssub.f32 $1.500000000e+00, s13;
	s23 =	smul.f32 s20, s29  }
0x212: {  	s17 =	smul.f32 s17, s19  }
0x213: {  	s3 =	smul.f32 s13, s3;
	s23 =	ssub.f32 $1.500000000e+00, s23  }
0x214: {  	s19 =	smul.f32 s17, s18  }
0x215: {  	s12 =	sadd.f32 s22, s12;
	s13 =	smul.f32 s20, s23  }
0x216: {  	s19 =	smul.f32 s19, s17  }
0x217: {  	s12 =	sadd.f32 s24, s12;
	s20 =	smul.f32 s13, s21  }
0x218: {  	s11 =	smul.f32 s3, s11;
	s19 =	ssub.f32 $1.500000000e+00, s19  }
0x219: {  	s20 =	smul.f32 s20, s13  }
0x21a: {  	s12 =	sadd.f32 s25, s12;
	s17 =	smul.f32 s19, s17  }
0x21b: {  	s11 =	smul.f32 s11, s3;
	s24 =	ssub.f32 $1.500000000e+00, s20  }
0x21c: {  	s18 =	smul.f32 s17, s18  }
0x21d: {  	s12 =	sadd.f32 s26, s12;
	s13 =	smul.f32 s24, s13  }
0x21e: {  	s11 =	ssub.f32 $1.500000000e+00, s11;
	s18 =	smul.f32 s18, s17  }
0x21f: {  	s12 =	sadd.f32 s28, s12;
	s25 =	smul.f32 s13, s21  }
0x220: {  	s3 =	smul.f32 s11, s3;
	s26 =	ssub.f32 $1.500000000e+00, s18  }
0x221: {  	s1 =	sadd.f32 s1, s12;
	s12 =	smul.f32 s25, s13  }
0x222: {  	s28 =	smul.f32 s26, s17  }
0x223: {  	s3 =	smul.f32 s3, s30;
	s29 =	ssub.f32 $1.500000000e+00, s12  }
0x224: {  	s15 =	sadd.s32 $0x1, s15;
	s0 =	sadd.f32 s0, s1;
	s1 =	smul.f32 s28, s10  }
0x225: {  	p0 =	sne.s32 s15, $0x40;
	s30 =	smul.f32 s29, s13  }
.Ltmp4:
0x226: {  	s0 =	sadd.f32 s3, s0;
	(pc) =	sbr.rel @p0 .LBB2_6-.Ltmp4, $4  }
0x227: {  	_ = 	snop  }
0x228: {  	s0 =	sadd.f32 s1, s0;
	s31 =	smul.f32 s30, s16  }
0x229: {  	_ = 	snop  }
0x22a: {  	s16 =	sadd.f32 s31, s0  }
0x22b: {  	(xrf2) =	vadd.scan.msk.f32 $0xffff, v4;
	_ =	sdelay $0x9  }
0x22c: {  	v4, _, _ =	vpop (xrf2)  }
0x22d: {  	v4 =	vbroadcast v4, $0xF;
	_ =	sdelay $0x1  }
0x22e: {  	vm1 =	veq.s32 v0, $0x0;
	s14 =	sadd.s32 $0x1, s14;
	v4 =	vnsel vm0, $0x0, v4  }
0x22f: {  	p0 =	sne.s32 s14, s8;
	v4 =	vsel vm1, s16, v4  }
.Ltmp5:
0x230: {  	s0 =	simm.s32 $0x4880;
	[tilespmem:$0x4880] =	vst v4;
	(pc) =	sbr.rel @p0 .LBB2_1-.Ltmp5, $4  }
0x231: {  	[hbm4b:s7+s2] =	stream.linear.scatter [tilespmem:s0], [sflag:$0x1], $0x10, $0x38;
	[tilespmem:$0x4900] =	vst v63  }
0x232: {  	_ =	swait.ge [sflag:s9], $0x10  }
0x233: {  	[sflag:s9] =	ssyncset.done $0x0  }
0x234: {  	[sflag:s9] =	ssyncadd.s32 $0xFFFFFFF0  }
0x235: {  	_ =	sfence.sel $0x180000  }
0x236: {  	[bflag:$0x0] =	sbarrier.arrive $0xFFFF  }
0x237: {  	_ =	strace $0x90000047  }
0x238: {  	s0 =	stileid.u32;
	[bflag:$0x2] =	sbarrier.arrive $0xFFFF  }
0x239: {  	p0 =	sne.s32 s0, $0x0;
	s0 =	rddreg [dreg:$0x1]  }
0x23a: {  	s0 =	sadd.s32 @!p0 $0x100000, s0  }
0x23b: {  	[sflag:s0] =	ssyncadd.tile.s32 @!p0 $0x1;
	_ =	shalt  }
.Lfunc_end2:
_tile_overlayer_lowered:
.L_overlay_start_2:
0x23c: {  	(tag) =	ssettag $0x2  }
0x23d: {  	s0 =	rddreg [dreg:$0x0];
	s2 =	stileid.u32  }
0x23e: {  	s1 =	rddreg [dreg:$0x1];
	p0 =	sne.s32 s2, $0x0  }
0x23f: {  	s3 =	rddreg [dreg:$0x2];
	[bflag:$0x3] =	sbarrier.arrive $0xFFFF;
	s2 =	simm.s32 @!p0 $0x1C01  }
0x240: {  	[timem:s3], [sflag:s2] =	dma.local @!p0 [hbm:s0], s1  }
0x241: {  	s0 =	simm.s32 @!p0 $0x1  }
0x242: {  	_ =	swait.ge @!p0 [sflag:s0], s1  }
0x243: {  	s1 =	ssub.s32 @!p0 $0x0, s1;
	[sflag:s0] =	ssyncset.done @!p0 $0x0  }
0x244: {  	[sflag:s0] =	ssyncadd.s32 @!p0 s1  }
0x245: {  	[bflag:$0x3] =	sbarrier.arrive $0xFFFF  }
0x246: {  	_ =	shalt  }

</sc_bundles>
